<compile_context>
chip_gen: v7x
topology: tpu7x:2x2x1
jax: 0.10.2.dev20260603
libtpu: 0.0.44.dev20260713+nightly
codegen_flags: <defaults>
</compile_context>

<pallas_src>
import functools

import jax
import jax.numpy as jnp
from jax import lax
from jax.experimental import pallas as pl
from jax.experimental.pallas import tpu as pltpu
from jax.experimental.pallas import tpu_sc as plsc

B, S, H = 4, 4096, 2048
K = S // 2
TS = 512
NJ = S // TS
L = 16
NV = S // L


def _tc_body(x_ref, w_ref, logits_ref):
    b = pl.program_id(0)
    j = pl.program_id(1)
    xt = x_ref[0].astype(jnp.bfloat16)
    lt = lax.dot_general(xt, w_ref[...].astype(jnp.bfloat16),
                         dimension_numbers=(((1,), (0,)), ((), ())),
                         preferred_element_type=jnp.float32)
    start = pl.multiple_of(j * TS, TS)
    logits_ref[pl.ds(b, 1), pl.ds(start, TS)] = lt[:, 0][None, :]


def _matvec(x, w):
    w2 = w.reshape(H, 1)
    return pl.pallas_call(
        _tc_body,
        grid=(B, NJ),
        in_specs=[
            pl.BlockSpec((1, TS, H), lambda b, j: (b, j, 0)),
            pl.BlockSpec((H, 1), lambda b, j: (0, 0)),
        ],
        out_specs=pl.BlockSpec((B, S), lambda b, j: (0, 0)),
        out_shape=jax.ShapeDtypeStruct((B, S), jnp.float32),
    )(x, w2)


def _lane_extract(v, t):
    lane = lax.iota(jnp.int32, L)
    return jnp.max(jnp.where(lane == t, v, jnp.int32(-2147483647 - 1)))


def _sc_route_body(logits_hbm, mask_hbm, row_v, key_v, hist_v, sem):
    nc = 2
    wid = lax.axis_index("s") * nc + lax.axis_index("c")
    i32_min = jnp.int32(-2147483647 - 1)

    @pl.when(wid < B)
    def _():
        pltpu.sync_copy(logits_hbm.at[wid], row_v)

        def zhist(i, carry):
            hist_v[pl.ds(i * L, L)] = jnp.zeros((L,), jnp.int32)
            return carry

        lax.fori_loop(0, 256 // L, zhist, jnp.int32(0))

        def conv(i, carry):
            f = row_v[pl.ds(i * L, L)]
            f = jnp.where(f == jnp.float32(0), jnp.float32(0), f)
            bits = plsc.bitcast(f, jnp.int32)
            ik = jnp.where(bits < 0,
                           jnp.bitwise_xor(jnp.bitwise_not(bits), i32_min),
                           bits)
            ub = jnp.bitwise_xor(ik, i32_min)
            key_v[pl.ds(i * L, L)] = ub
            digit = lax.shift_right_logical(ub, 24)
            plsc.addupdate_scatter(hist_v, [digit],
                                   jnp.ones((L,), jnp.int32))
            return carry

        lax.fori_loop(0, NV, conv, jnp.int32(0))

        prefix = jnp.int32(0)
        k_rem = jnp.int32(K)
        for level in range(4):
            shift = 24 - 8 * level

            if level > 0:
                def zhist2(i, carry):
                    hist_v[pl.ds(i * L, L)] = jnp.zeros((L,), jnp.int32)
                    return carry

                lax.fori_loop(0, 256 // L, zhist2, jnp.int32(0))

                def hpass(i, carry):
                    ub = key_v[pl.ds(i * L, L)]
                    digit = jnp.bitwise_and(
                        lax.shift_right_logical(ub, shift), jnp.int32(255))
                    hi = lax.shift_right_logical(ub, shift + 8)
                    want = lax.shift_right_logical(prefix, shift + 8)
                    plsc.addupdate_scatter(hist_v, [digit],
                                           jnp.ones((L,), jnp.int32),
                                           mask=hi == want)
                    return carry

                lax.fori_loop(0, NV, hpass, jnp.int32(0))

            def scan_chunk(c, carry):
                cum, found, dstar, sub = carry
                start = 256 - L - c * L
                chunk = hist_v[pl.ds(start, L)]
                rchunk = lax.rev(chunk, (0,))
                cs = plsc.cumsum(rchunk) + cum
                hit = cs >= k_rem
                anyhit = jnp.max(plsc.all_reduce_population_count(hit))
                got = jnp.where(found == 0, anyhit, jnp.int32(0))
                tstar = jnp.max(plsc.all_reduce_ffs(hit))
                d_here = jnp.int32(start + L - 1) - tstar
                cge = _lane_extract(cs, tstar)
                hd = _lane_extract(rchunk, tstar)
                dstar = jnp.where(got > 0, d_here, dstar)
                sub = jnp.where(got > 0, cge - hd, sub)
                found = jnp.where(got > 0, jnp.int32(1), found)
                cum = cum + jnp.sum(chunk)
                return cum, found, dstar, sub

            _, _, dstar, sub = lax.fori_loop(
                0, 256 // L, scan_chunk,
                (jnp.int32(0), jnp.int32(0), jnp.int32(0), jnp.int32(0)))
            prefix = jnp.bitwise_or(prefix, lax.shift_left(dstar, shift))
            k_rem = k_rem - sub

        thr_ik = jnp.bitwise_xor(prefix, i32_min)

        def mpass(i, taken):
            ub = key_v[pl.ds(i * L, L)]
            ik = jnp.bitwise_xor(ub, i32_min)
            gt = ik > thr_ik
            eq = ub == prefix
            cs = plsc.cumsum(jnp.where(eq, jnp.int32(1), jnp.int32(0)))
            sel = eq & ((cs + taken) <= k_rem)
            row_v[pl.ds(i * L, L)] = jnp.where(
                gt | sel, jnp.float32(1), jnp.float32(0))
            return taken + jnp.max(cs)

        lax.fori_loop(0, NV, mpass, jnp.int32(0))
        pltpu.sync_copy(row_v, mask_hbm.at[wid])


def _sc_route(logits):
    mesh = plsc.VectorSubcoreMesh(core_axis_name="c", subcore_axis_name="s")
    f = functools.partial(
        pl.kernel,
        mesh=mesh,
        compiler_params=pltpu.CompilerParams(needs_layout_passes=False),
        out_type=jax.ShapeDtypeStruct((B, S), jnp.float32),
        scratch_types=[
            pltpu.VMEM((S,), jnp.float32),
            pltpu.VMEM((S,), jnp.int32),
            pltpu.VMEM((256,), jnp.int32),
            pltpu.SemaphoreType.DMA,
        ],
    )(_sc_route_body)
    return f(logits)


def kernel(x, w):
    logits = _matvec(x, w)
    mask = _sc_route(logits)
    return (mask[..., None], mask, logits)

# --- scband reference (transcript-rebuilt; emitter-appended) ---
"""Pipeline reference for scband-token-router-18021682774282 (READ-ONLY COPY).

The authoritative reference and input builder live on the scoring server;
editing this copy changes nothing except your own understanding.
"""

import jax, jax.numpy as jnp
import numpy as np

CAPACITY_FACTOR = 0.5


def setup_inputs(seed: int = 0) -> dict:
    key = jax.random.key(seed)
    k1, k2 = jax.random.split(key)
    x = jax.random.normal(k1, (4, 4096, 2048), dtype=jnp.float32)
    # nn.Linear(hidden_size, 1, bias=False) weight, stored as a vector [hidden_size]
    w = jax.random.normal(k2, (2048,), dtype=jnp.float32) * 0.02
    return {"x": x, "w": w}


def reference(x, w):
    batch_size, seq_len, hidden = x.shape
    # router_logits = Linear(x).squeeze(-1)  -> [B, S]
    router_logits = jnp.einsum('bsh,h->bs', x, w)
    capacity = int(seq_len * CAPACITY_FACTOR)
    # training=True branch
    routing_probs = jax.nn.sigmoid(router_logits)
    _, top_indices = jax.lax.top_k(router_logits, capacity)  # [B, capacity]
    routing_mask = jnp.zeros_like(router_logits)
    batch_idx = jnp.arange(batch_size)[:, None]
    routing_mask = routing_mask.at[batch_idx, top_indices].set(1.0)
    # straight-through: forward value = mask, gradient flows through sigmoid probs
    routing_weights = routing_mask + routing_probs - jax.lax.stop_gradient(routing_probs)
    routing_weights = routing_weights[..., None]  # [B, S, 1]
    return (routing_weights, routing_mask, router_logits)

if __name__ == "__main__":
    import jax
    _d = setup_inputs()
    print(jax.jit(kernel)(*tuple(_d.values())))

</pallas_src>

<mosaic_0001>
#map = affine_map<(d0, d1) -> (0, 0)>
module attributes {stable_mosaic.version = 14 : i64} {
  func.func @_sc_route_body(%arg0: i32, %arg1: i32, %arg2: memref<4x4096xf32, #tpu.memory_space<hbm>>, %arg3: memref<4x4096xf32, #tpu.memory_space<hbm>>, %arg4: memref<4096xf32, #tpu.memory_space<vmem>>, %arg5: memref<4096xi32, #tpu.memory_space<vmem>>, %arg6: memref<256xi32, #tpu.memory_space<vmem>>, %arg7: memref<!tpu.dma_semaphore, #tpu.memory_space<semaphore_mem>>) attributes {dimension_semantics = [#tpu.dimension_semantics<core_parallel>, #tpu.dimension_semantics<subcore_parallel>], iteration_bounds = array<i64: 2, 16>, scalar_prefetch = 0 : i64, scratch_operands = 4 : i64, tpu.core_type = #tpu.core_type<sc_vector_subcore>, window_params = [{transform_indices = #map}, {transform_indices = #map}]} {
    %mul3A = arith.constant 2 : i32
    %mul3A_0 = arith.muli %arg1, %mul3A : i32
    %add3A = arith.addi %mul3A_0, %arg0 : i32
    %lt3A = arith.constant 4 : i32
    %lt3A_1 = arith.cmpi slt, %add3A, %lt3A : i32
    %convert_element_type3A = arith.extui %lt3A_1 : i1 to i32
    %cond3A = arith.constant -2147483648 : i32
    %cond3A_2 = arith.constant 0 : i32
    %cond3A_3 = arith.cmpi ne, %convert_element_type3A, %cond3A_2 : i32
    scf.if %cond3A_3 {
      "tpu.region"() ({
        %run_scoped3A = tpu.sem_alloc : memref<!tpu.dma_semaphore, #tpu.memory_space<semaphore_mem>>
        %dma_start3A = arith.constant 0 : i32
        %dma_start3A_114 = tpu.memref_slice %arg2[%add3A, %dma_start3A] : memref<4x4096xf32, #tpu.memory_space<hbm>> -> memref<1x4096xf32, #tpu.memory_space<hbm>>
        %dma_start3A_115 = tpu.memref_squeeze %dma_start3A_114 : memref<1x4096xf32, #tpu.memory_space<hbm>> -> memref<4096xf32, #tpu.memory_space<hbm>>
        %dma_start3A_116 = arith.constant 0 : i32
        %dma_start3A_117 = tpu.memref_slice %arg2[%add3A, %dma_start3A_116] : memref<4x4096xf32, #tpu.memory_space<hbm>> -> memref<1x4096xf32, #tpu.memory_space<hbm>>
        %dma_start3A_118 = tpu.memref_squeeze %dma_start3A_117 : memref<1x4096xf32, #tpu.memory_space<hbm>> -> memref<4096xf32, #tpu.memory_space<hbm>>
        tpu.enqueue_dma source(%dma_start3A_118 : memref<4096xf32, #tpu.memory_space<hbm>>) target(%arg4 : memref<4096xf32, #tpu.memory_space<vmem>>) target_semaphore(%run_scoped3A : memref<!tpu.dma_semaphore, #tpu.memory_space<semaphore_mem>>)
        %dma_wait3A = arith.constant 0 : i32
        %dma_wait3A_119 = tpu.memref_slice %arg2[%add3A, %dma_wait3A] : memref<4x4096xf32, #tpu.memory_space<hbm>> -> memref<1x4096xf32, #tpu.memory_space<hbm>>
        %dma_wait3A_120 = tpu.memref_squeeze %dma_wait3A_119 : memref<1x4096xf32, #tpu.memory_space<hbm>> -> memref<4096xf32, #tpu.memory_space<hbm>>
        %dma_wait3A_121 = arith.constant 0 : i32
        %dma_wait3A_122 = tpu.memref_slice %arg2[%add3A, %dma_wait3A_121] : memref<4x4096xf32, #tpu.memory_space<hbm>> -> memref<1x4096xf32, #tpu.memory_space<hbm>>
        %dma_wait3A_123 = tpu.memref_squeeze %dma_wait3A_122 : memref<1x4096xf32, #tpu.memory_space<hbm>> -> memref<4096xf32, #tpu.memory_space<hbm>>
        tpu.wait_dma2 semaphore(%run_scoped3A : memref<!tpu.dma_semaphore, #tpu.memory_space<semaphore_mem>>) src(%dma_wait3A_123 : memref<4096xf32, #tpu.memory_space<hbm>>) dst(%arg4 : memref<4096xf32, #tpu.memory_space<vmem>>)
        tpu.yield
      }) : () -> ()
      %scan3A = arith.constant 0 : i32
      %scan3A_4 = arith.constant 0 : i32
      %scan3A_5 = arith.constant 16 : i32
      %scan3A_6 = arith.addi %scan3A_4, %scan3A_5 : i32
      %scan3A_7 = arith.constant 1 : i32
      scf.for %scan3A_114 = %scan3A_4 to %scan3A_6 step %scan3A_7  : i32 {
        %broadcast_in_dim3A = arith.constant 0 : i32
        %broadcast_in_dim3A_115 = vector.broadcast %broadcast_in_dim3A : i32 to vector<16xi32>
        %mul3A_116 = arith.constant 16 : i32
        %mul3A_117 = arith.muli %scan3A_114, %mul3A_116 : i32
        %swap3A = arith.index_cast %mul3A_117 : i32 to index
        %swap3A_118 = tpu.vector_load %arg6[%swap3A] {strides = array<i32>} : memref<256xi32, #tpu.memory_space<vmem>>, vector<16xi32>,
        tpu.vector_store %arg6[%swap3A], %broadcast_in_dim3A_115 {strides = array<i32>} : memref<256xi32, #tpu.memory_space<vmem>>, vector<16xi32>,
      }
      %scan3A_8 = arith.constant 16 : i32
      %scan3A_9 = arith.constant 0 : i32
      %scan3A_10 = arith.constant 0 : i32
      %scan3A_11 = arith.constant 256 : i32
      %scan3A_12 = arith.addi %scan3A_10, %scan3A_11 : i32
      %scan3A_13 = arith.constant 1 : i32
      scf.for %scan3A_114 = %scan3A_10 to %scan3A_12 step %scan3A_13  : i32 {
        %mul3A_115 = arith.constant 16 : i32
        %mul3A_116 = arith.muli %scan3A_114, %mul3A_115 : i32
        %get3A = arith.index_cast %mul3A_116 : i32 to index
        %get3A_117 = tpu.vector_load %arg4[%get3A] {strides = array<i32>} : memref<4096xf32, #tpu.memory_space<vmem>>, vector<16xf32>,
        %eq3A = arith.constant 0.000000e+00 : f32
        %eq3A_118 = vector.broadcast %eq3A : f32 to vector<16xf32>
        %eq3A_119 = arith.cmpf oeq, %get3A_117, %eq3A_118 : vector<16xf32>
        %jit3A = arith.constant 0.000000e+00 : f32
        %broadcast_in_dim3A = vector.broadcast %jit3A : f32 to vector<16xf32>
        %select_n3A = arith.select %eq3A_119, %broadcast_in_dim3A, %get3A_117 : vector<16xi1>, vector<16xf32>
        %bitcast3A = vector.bitcast %select_n3A : vector<16xf32> to vector<16xi32>
        %lt3A_120 = arith.constant 0 : i32
        %lt3A_121 = vector.broadcast %lt3A_120 : i32 to vector<16xi32>
        %lt3A_122 = arith.cmpi slt, %bitcast3A, %lt3A_121 : vector<16xi32>
        %not3A = arith.constant dense<-1> : vector<16xi32>
        %not3A_123 = arith.xori %bitcast3A, %not3A : vector<16xi32>
        %xor3A_124 = vector.broadcast %cond3A : i32 to vector<16xi32>
        %xor3A_125 = arith.xori %not3A_123, %xor3A_124 : vector<16xi32>
        %select_n3A_126 = arith.select %lt3A_122, %xor3A_125, %bitcast3A : vector<16xi1>, vector<16xi32>
        %xor3A_127 = vector.broadcast %cond3A : i32 to vector<16xi32>
        %xor3A_128 = arith.xori %select_n3A_126, %xor3A_127 : vector<16xi32>
        %mul3A_129 = arith.constant 16 : i32
        %mul3A_130 = arith.muli %scan3A_114, %mul3A_129 : i32
        %swap3A = arith.index_cast %mul3A_130 : i32 to index
        %swap3A_131 = tpu.vector_load %arg5[%swap3A] {strides = array<i32>} : memref<4096xi32, #tpu.memory_space<vmem>>, vector<16xi32>,
        tpu.vector_store %arg5[%swap3A], %xor3A_128 {strides = array<i32>} : memref<4096xi32, #tpu.memory_space<vmem>>, vector<16xi32>,
        %shift_right_logical3A = arith.constant 24 : i32
        %shift_right_logical3A_132 = vector.broadcast %shift_right_logical3A : i32 to vector<16xi32>
        %shift_right_logical3A_133 = arith.shrui %xor3A_128, %shift_right_logical3A_132 : vector<16xi32>
        %broadcast_in_dim3A_134 = arith.constant 1 : i32
        %broadcast_in_dim3A_135 = vector.broadcast %broadcast_in_dim3A_134 : i32 to vector<16xi32>
        tpu.vector_store_idx %arg6[%shift_right_logical3A_133], %broadcast_in_dim3A_135 {add = true} : memref<256xi32, #tpu.memory_space<vmem>>[vector<16xi32>], vector<16xi32>,
      }
      %scan3A_14 = arith.constant 256 : i32
      %scan3A_15 = arith.constant 2048 : i32
      %scan3A_16 = arith.constant 0 : i32
      %scan3A_17 = arith.constant 0 : i32
      %scan3A_18 = arith.constant 0 : i32
      %scan3A_19 = arith.constant 0 : i32
      %scan3A_20 = arith.constant 0 : i32
      %scan3A_21 = arith.constant 16 : i32
      %scan3A_22 = arith.addi %scan3A_20, %scan3A_21 : i32
      %scan3A_23 = arith.constant 1 : i32
      %scan3A_24:4 = scf.for %scan3A_114 = %scan3A_20 to %scan3A_22 step %scan3A_23 iter_args(%scan3A_115 = %scan3A_16, %scan3A_116 = %scan3A_17, %scan3A_117 = %scan3A_18, %scan3A_118 = %scan3A_19) -> (i32, i32, i32, i32)  : i32 {
        %mul3A_119 = arith.constant 16 : i32
        %mul3A_120 = arith.muli %scan3A_114, %mul3A_119 : i32
        %sub3A_121 = arith.constant 240 : i32
        %sub3A_122 = arith.subi %sub3A_121, %mul3A_120 : i32
        %get3A = arith.index_cast %sub3A_122 : i32 to index
        %get3A_123 = tpu.vector_load %arg6[%get3A] {strides = array<i32>} : memref<256xi32, #tpu.memory_space<vmem>>, vector<16xi32>,
        %rev3A = arith.constant 15 : i32
        %rev3A_124 = vector.broadcast %rev3A : i32 to vector<16xi32>
        %rev3A_125 = tpu.iota {dimensions = array<i32: 0>} : vector<16xi32>
        %rev3A_126 = arith.subi %rev3A_124, %rev3A_125 : vector<16xi32>
        %rev3A_127 = tpu.dynamic_gather %get3A_123[%rev3A_126] in [0] : vector<16xi32>, vector<16xi32> -> vector<16xi32>
        %broadcast_in_dim3A = arith.constant true
        %broadcast_in_dim3A_128 = vector.broadcast %broadcast_in_dim3A : i1 to vector<16xi1>
        %masked_cumsum3A = tpu.scan <sum>, %rev3A_127 masked %broadcast_in_dim3A_128 : vector<16xi32>, vector<16xi1> -> vector<16xi32>
        %add3A_129 = vector.broadcast %scan3A_115 : i32 to vector<16xi32>
        %add3A_130 = arith.addi %masked_cumsum3A, %add3A_129 : vector<16xi32>
        %ge3A = vector.broadcast %scan3A_15 : i32 to vector<16xi32>
        %ge3A_131 = arith.cmpi sge, %add3A_130, %ge3A : vector<16xi32>
        %all_reduce_population_count3A = tpu.all_reduce %ge3A_131 {dim = 0 : i64, kind = #tpu.reduction_kind<sum>} : vector<16xi1> -> vector<16xi32>
        %reduce_max3A = arith.constant true
        %reduce_max3A_132 = vector.broadcast %reduce_max3A : i1 to vector<16xi1>
        %reduce_max3A_133 = arith.constant -2147483648 : i32
        %reduce_max3A_134 = vector.broadcast %reduce_max3A_133 : i32 to vector<16xi32>
        %reduce_max3A_135 = arith.xori %all_reduce_population_count3A, %reduce_max3A_134 : vector<16xi32>
        %reduce_max3A_136 = tpu.scan <max>, %reduce_max3A_135 masked %reduce_max3A_132 : vector<16xi32>, vector<16xi1> -> vector<16xi32>
        %reduce_max3A_137 = arith.xori %reduce_max3A_136, %reduce_max3A_134 : vector<16xi32>
        %reduce_max3A_138 = vector.extract %reduce_max3A_137[15] : i32 from vector<16xi32>
        %eq3A = arith.constant 0 : i32
        %eq3A_139 = arith.cmpi eq, %scan3A_116, %eq3A : i32
        %jit3A = arith.constant 0 : i32
        %select_n3A = arith.select %eq3A_139, %reduce_max3A_138, %jit3A : i32
        %all_reduce_ffs3A = tpu.all_reduce %ge3A_131 {dim = 0 : i64, kind = #tpu.reduction_kind<find_first_set>} : vector<16xi1> -> vector<16xi32>
        %reduce_max3A_140 = arith.constant true
        %reduce_max3A_141 = vector.broadcast %reduce_max3A_140 : i1 to vector<16xi1>
        %reduce_max3A_142 = arith.constant -2147483648 : i32
        %reduce_max3A_143 = vector.broadcast %reduce_max3A_142 : i32 to vector<16xi32>
        %reduce_max3A_144 = arith.xori %all_reduce_ffs3A, %reduce_max3A_143 : vector<16xi32>
        %reduce_max3A_145 = tpu.scan <max>, %reduce_max3A_144 masked %reduce_max3A_141 : vector<16xi32>, vector<16xi1> -> vector<16xi32>
        %reduce_max3A_146 = arith.xori %reduce_max3A_145, %reduce_max3A_143 : vector<16xi32>
        %reduce_max3A_147 = vector.extract %reduce_max3A_146[15] : i32 from vector<16xi32>
        %add3A_148 = arith.constant 16 : i32
        %add3A_149 = arith.addi %sub3A_122, %add3A_148 : i32
        %sub3A_150 = arith.constant 1 : i32
        %sub3A_151 = arith.subi %add3A_149, %sub3A_150 : i32
        %sub3A_152 = arith.subi %sub3A_151, %reduce_max3A_147 : i32
        %iota3A = tpu.iota {dimensions = array<i32: 0>} : vector<16xi32>
        %eq3A_153 = vector.broadcast %reduce_max3A_147 : i32 to vector<16xi32>
        %eq3A_154 = arith.cmpi eq, %iota3A, %eq3A_153 : vector<16xi32>
        %jit3A_155 = arith.constant -2147483648 : i32
        %broadcast_in_dim3A_156 = vector.broadcast %jit3A_155 : i32 to vector<16xi32>
        %select_n3A_157 = arith.select %eq3A_154, %add3A_130, %broadcast_in_dim3A_156 : vector<16xi1>, vector<16xi32>
        %reduce_max3A_158 = arith.constant true
        %reduce_max3A_159 = vector.broadcast %reduce_max3A_158 : i1 to vector<16xi1>
        %reduce_max3A_160 = arith.constant -2147483648 : i32
        %reduce_max3A_161 = vector.broadcast %reduce_max3A_160 : i32 to vector<16xi32>
        %reduce_max3A_162 = arith.xori %select_n3A_157, %reduce_max3A_161 : vector<16xi32>
        %reduce_max3A_163 = tpu.scan <max>, %reduce_max3A_162 masked %reduce_max3A_159 : vector<16xi32>, vector<16xi1> -> vector<16xi32>
        %reduce_max3A_164 = arith.xori %reduce_max3A_163, %reduce_max3A_161 : vector<16xi32>
        %reduce_max3A_165 = vector.extract %reduce_max3A_164[15] : i32 from vector<16xi32>
        %iota3A_166 = tpu.iota {dimensions = array<i32: 0>} : vector<16xi32>
        %eq3A_167 = vector.broadcast %reduce_max3A_147 : i32 to vector<16xi32>
        %eq3A_168 = arith.cmpi eq, %iota3A_166, %eq3A_167 : vector<16xi32>
        %jit3A_169 = arith.constant -2147483648 : i32
        %broadcast_in_dim3A_170 = vector.broadcast %jit3A_169 : i32 to vector<16xi32>
        %select_n3A_171 = arith.select %eq3A_168, %rev3A_127, %broadcast_in_dim3A_170 : vector<16xi1>, vector<16xi32>
        %reduce_max3A_172 = arith.constant true
        %reduce_max3A_173 = vector.broadcast %reduce_max3A_172 : i1 to vector<16xi1>
        %reduce_max3A_174 = arith.constant -2147483648 : i32
        %reduce_max3A_175 = vector.broadcast %reduce_max3A_174 : i32 to vector<16xi32>
        %reduce_max3A_176 = arith.xori %select_n3A_171, %reduce_max3A_175 : vector<16xi32>
        %reduce_max3A_177 = tpu.scan <max>, %reduce_max3A_176 masked %reduce_max3A_173 : vector<16xi32>, vector<16xi1> -> vector<16xi32>
        %reduce_max3A_178 = arith.xori %reduce_max3A_177, %reduce_max3A_175 : vector<16xi32>
        %reduce_max3A_179 = vector.extract %reduce_max3A_178[15] : i32 from vector<16xi32>
        %gt3A = arith.constant 0 : i32
        %gt3A_180 = arith.cmpi sgt, %select_n3A, %gt3A : i32
        %select_n3A_181 = arith.select %gt3A_180, %sub3A_152, %scan3A_117 : i32
        %gt3A_182 = arith.constant 0 : i32
        %gt3A_183 = arith.cmpi sgt, %select_n3A, %gt3A_182 : i32
        %sub3A_184 = arith.subi %reduce_max3A_165, %reduce_max3A_179 : i32
        %select_n3A_185 = arith.select %gt3A_183, %sub3A_184, %scan3A_118 : i32
        %gt3A_186 = arith.constant 0 : i32
        %gt3A_187 = arith.cmpi sgt, %select_n3A, %gt3A_186 : i32
        %jit3A_188 = arith.constant 1 : i32
        %select_n3A_189 = arith.select %gt3A_187, %jit3A_188, %scan3A_116 : i32
        %reduce_sum3A = arith.constant true
        %reduce_sum3A_190 = vector.broadcast %reduce_sum3A : i1 to vector<16xi1>
        %reduce_sum3A_191 = tpu.scan <sum>, %get3A_123 masked %reduce_sum3A_190 : vector<16xi32>, vector<16xi1> -> vector<16xi32>
        %reduce_sum3A_192 = vector.extract %reduce_sum3A_191[15] : i32 from vector<16xi32>
        %add3A_193 = arith.addi %scan3A_115, %reduce_sum3A_192 : i32
        scf.yield %add3A_193, %select_n3A_189, %select_n3A_181, %select_n3A_185 : i32, i32, i32, i32
      }
      %scan3A_25 = arith.constant 16 : i32
      %shift_left3A = arith.constant 24 : i32
      %shift_left3A_26 = arith.shli %scan3A_24#2, %shift_left3A : i32
      %or3A = arith.constant 0 : i32
      %or3A_27 = arith.ori %or3A, %shift_left3A_26 : i32
      %sub3A = arith.constant 2048 : i32
      %sub3A_28 = arith.subi %sub3A, %scan3A_24#3 : i32
      %scan3A_29 = arith.constant 0 : i32
      %scan3A_30 = arith.constant 0 : i32
      %scan3A_31 = arith.constant 16 : i32
      %scan3A_32 = arith.addi %scan3A_30, %scan3A_31 : i32
      %scan3A_33 = arith.constant 1 : i32
      scf.for %scan3A_114 = %scan3A_30 to %scan3A_32 step %scan3A_33  : i32 {
        %broadcast_in_dim3A = arith.constant 0 : i32
        %broadcast_in_dim3A_115 = vector.broadcast %broadcast_in_dim3A : i32 to vector<16xi32>
        %mul3A_116 = arith.constant 16 : i32
        %mul3A_117 = arith.muli %scan3A_114, %mul3A_116 : i32
        %swap3A = arith.index_cast %mul3A_117 : i32 to index
        %swap3A_118 = tpu.vector_load %arg6[%swap3A] {strides = array<i32>} : memref<256xi32, #tpu.memory_space<vmem>>, vector<16xi32>,
        tpu.vector_store %arg6[%swap3A], %broadcast_in_dim3A_115 {strides = array<i32>} : memref<256xi32, #tpu.memory_space<vmem>>, vector<16xi32>,
      }
      %scan3A_34 = arith.constant 16 : i32
      %scan3A_35 = arith.constant 0 : i32
      %scan3A_36 = arith.constant 0 : i32
      %scan3A_37 = arith.constant 256 : i32
      %scan3A_38 = arith.addi %scan3A_36, %scan3A_37 : i32
      %scan3A_39 = arith.constant 1 : i32
      scf.for %scan3A_114 = %scan3A_36 to %scan3A_38 step %scan3A_39  : i32 {
        %mul3A_115 = arith.constant 16 : i32
        %mul3A_116 = arith.muli %scan3A_114, %mul3A_115 : i32
        %get3A = arith.index_cast %mul3A_116 : i32 to index
        %get3A_117 = tpu.vector_load %arg5[%get3A] {strides = array<i32>} : memref<4096xi32, #tpu.memory_space<vmem>>, vector<16xi32>,
        %shift_right_logical3A = arith.constant 16 : i32
        %shift_right_logical3A_118 = vector.broadcast %shift_right_logical3A : i32 to vector<16xi32>
        %shift_right_logical3A_119 = arith.shrui %get3A_117, %shift_right_logical3A_118 : vector<16xi32>
        %and3A = arith.constant 255 : i32
        %and3A_120 = vector.broadcast %and3A : i32 to vector<16xi32>
        %and3A_121 = arith.andi %shift_right_logical3A_119, %and3A_120 : vector<16xi32>
        %shift_right_logical3A_122 = arith.constant 24 : i32
        %shift_right_logical3A_123 = vector.broadcast %shift_right_logical3A_122 : i32 to vector<16xi32>
        %shift_right_logical3A_124 = arith.shrui %get3A_117, %shift_right_logical3A_123 : vector<16xi32>
        %shift_right_logical3A_125 = arith.constant 24 : i32
        %shift_right_logical3A_126 = arith.shrui %or3A_27, %shift_right_logical3A_125 : i32
        %broadcast_in_dim3A = arith.constant 1 : i32
        %broadcast_in_dim3A_127 = vector.broadcast %broadcast_in_dim3A : i32 to vector<16xi32>
        %eq3A = vector.broadcast %shift_right_logical3A_126 : i32 to vector<16xi32>
        %eq3A_128 = arith.cmpi eq, %shift_right_logical3A_124, %eq3A : vector<16xi32>
        tpu.vector_store_idx %arg6[%and3A_121], %broadcast_in_dim3A_127 masked %eq3A_128 {add = true} : memref<256xi32, #tpu.memory_space<vmem>>[vector<16xi32>], vector<16xi32>, vector<16xi1>
      }
      %scan3A_40 = arith.constant 256 : i32
      %scan3A_41 = arith.constant 0 : i32
      %scan3A_42 = arith.constant 0 : i32
      %scan3A_43 = arith.constant 0 : i32
      %scan3A_44 = arith.constant 0 : i32
      %scan3A_45 = arith.constant 0 : i32
      %scan3A_46 = arith.constant 16 : i32
      %scan3A_47 = arith.addi %scan3A_45, %scan3A_46 : i32
      %scan3A_48 = arith.constant 1 : i32
      %scan3A_49:4 = scf.for %scan3A_114 = %scan3A_45 to %scan3A_47 step %scan3A_48 iter_args(%scan3A_115 = %scan3A_41, %scan3A_116 = %scan3A_42, %scan3A_117 = %scan3A_43, %scan3A_118 = %scan3A_44) -> (i32, i32, i32, i32)  : i32 {
        %mul3A_119 = arith.constant 16 : i32
        %mul3A_120 = arith.muli %scan3A_114, %mul3A_119 : i32
        %sub3A_121 = arith.constant 240 : i32
        %sub3A_122 = arith.subi %sub3A_121, %mul3A_120 : i32
        %get3A = arith.index_cast %sub3A_122 : i32 to index
        %get3A_123 = tpu.vector_load %arg6[%get3A] {strides = array<i32>} : memref<256xi32, #tpu.memory_space<vmem>>, vector<16xi32>,
        %rev3A = arith.constant 15 : i32
        %rev3A_124 = vector.broadcast %rev3A : i32 to vector<16xi32>
        %rev3A_125 = tpu.iota {dimensions = array<i32: 0>} : vector<16xi32>
        %rev3A_126 = arith.subi %rev3A_124, %rev3A_125 : vector<16xi32>
        %rev3A_127 = tpu.dynamic_gather %get3A_123[%rev3A_126] in [0] : vector<16xi32>, vector<16xi32> -> vector<16xi32>
        %broadcast_in_dim3A = arith.constant true
        %broadcast_in_dim3A_128 = vector.broadcast %broadcast_in_dim3A : i1 to vector<16xi1>
        %masked_cumsum3A = tpu.scan <sum>, %rev3A_127 masked %broadcast_in_dim3A_128 : vector<16xi32>, vector<16xi1> -> vector<16xi32>
        %add3A_129 = vector.broadcast %scan3A_115 : i32 to vector<16xi32>
        %add3A_130 = arith.addi %masked_cumsum3A, %add3A_129 : vector<16xi32>
        %ge3A = vector.broadcast %sub3A_28 : i32 to vector<16xi32>
        %ge3A_131 = arith.cmpi sge, %add3A_130, %ge3A : vector<16xi32>
        %all_reduce_population_count3A = tpu.all_reduce %ge3A_131 {dim = 0 : i64, kind = #tpu.reduction_kind<sum>} : vector<16xi1> -> vector<16xi32>
        %reduce_max3A = arith.constant true
        %reduce_max3A_132 = vector.broadcast %reduce_max3A : i1 to vector<16xi1>
        %reduce_max3A_133 = arith.constant -2147483648 : i32
        %reduce_max3A_134 = vector.broadcast %reduce_max3A_133 : i32 to vector<16xi32>
        %reduce_max3A_135 = arith.xori %all_reduce_population_count3A, %reduce_max3A_134 : vector<16xi32>
        %reduce_max3A_136 = tpu.scan <max>, %reduce_max3A_135 masked %reduce_max3A_132 : vector<16xi32>, vector<16xi1> -> vector<16xi32>
        %reduce_max3A_137 = arith.xori %reduce_max3A_136, %reduce_max3A_134 : vector<16xi32>
        %reduce_max3A_138 = vector.extract %reduce_max3A_137[15] : i32 from vector<16xi32>
        %eq3A = arith.constant 0 : i32
        %eq3A_139 = arith.cmpi eq, %scan3A_116, %eq3A : i32
        %jit3A = arith.constant 0 : i32
        %select_n3A = arith.select %eq3A_139, %reduce_max3A_138, %jit3A : i32
        %all_reduce_ffs3A = tpu.all_reduce %ge3A_131 {dim = 0 : i64, kind = #tpu.reduction_kind<find_first_set>} : vector<16xi1> -> vector<16xi32>
        %reduce_max3A_140 = arith.constant true
        %reduce_max3A_141 = vector.broadcast %reduce_max3A_140 : i1 to vector<16xi1>
        %reduce_max3A_142 = arith.constant -2147483648 : i32
        %reduce_max3A_143 = vector.broadcast %reduce_max3A_142 : i32 to vector<16xi32>
        %reduce_max3A_144 = arith.xori %all_reduce_ffs3A, %reduce_max3A_143 : vector<16xi32>
        %reduce_max3A_145 = tpu.scan <max>, %reduce_max3A_144 masked %reduce_max3A_141 : vector<16xi32>, vector<16xi1> -> vector<16xi32>
        %reduce_max3A_146 = arith.xori %reduce_max3A_145, %reduce_max3A_143 : vector<16xi32>
        %reduce_max3A_147 = vector.extract %reduce_max3A_146[15] : i32 from vector<16xi32>
        %add3A_148 = arith.constant 16 : i32
        %add3A_149 = arith.addi %sub3A_122, %add3A_148 : i32
        %sub3A_150 = arith.constant 1 : i32
        %sub3A_151 = arith.subi %add3A_149, %sub3A_150 : i32
        %sub3A_152 = arith.subi %sub3A_151, %reduce_max3A_147 : i32
        %iota3A = tpu.iota {dimensions = array<i32: 0>} : vector<16xi32>
        %eq3A_153 = vector.broadcast %reduce_max3A_147 : i32 to vector<16xi32>
        %eq3A_154 = arith.cmpi eq, %iota3A, %eq3A_153 : vector<16xi32>
        %jit3A_155 = arith.constant -2147483648 : i32
        %broadcast_in_dim3A_156 = vector.broadcast %jit3A_155 : i32 to vector<16xi32>
        %select_n3A_157 = arith.select %eq3A_154, %add3A_130, %broadcast_in_dim3A_156 : vector<16xi1>, vector<16xi32>
        %reduce_max3A_158 = arith.constant true
        %reduce_max3A_159 = vector.broadcast %reduce_max3A_158 : i1 to vector<16xi1>
        %reduce_max3A_160 = arith.constant -2147483648 : i32
        %reduce_max3A_161 = vector.broadcast %reduce_max3A_160 : i32 to vector<16xi32>
        %reduce_max3A_162 = arith.xori %select_n3A_157, %reduce_max3A_161 : vector<16xi32>
        %reduce_max3A_163 = tpu.scan <max>, %reduce_max3A_162 masked %reduce_max3A_159 : vector<16xi32>, vector<16xi1> -> vector<16xi32>
        %reduce_max3A_164 = arith.xori %reduce_max3A_163, %reduce_max3A_161 : vector<16xi32>
        %reduce_max3A_165 = vector.extract %reduce_max3A_164[15] : i32 from vector<16xi32>
        %iota3A_166 = tpu.iota {dimensions = array<i32: 0>} : vector<16xi32>
        %eq3A_167 = vector.broadcast %reduce_max3A_147 : i32 to vector<16xi32>
        %eq3A_168 = arith.cmpi eq, %iota3A_166, %eq3A_167 : vector<16xi32>
        %jit3A_169 = arith.constant -2147483648 : i32
        %broadcast_in_dim3A_170 = vector.broadcast %jit3A_169 : i32 to vector<16xi32>
        %select_n3A_171 = arith.select %eq3A_168, %rev3A_127, %broadcast_in_dim3A_170 : vector<16xi1>, vector<16xi32>
        %reduce_max3A_172 = arith.constant true
        %reduce_max3A_173 = vector.broadcast %reduce_max3A_172 : i1 to vector<16xi1>
        %reduce_max3A_174 = arith.constant -2147483648 : i32
        %reduce_max3A_175 = vector.broadcast %reduce_max3A_174 : i32 to vector<16xi32>
        %reduce_max3A_176 = arith.xori %select_n3A_171, %reduce_max3A_175 : vector<16xi32>
        %reduce_max3A_177 = tpu.scan <max>, %reduce_max3A_176 masked %reduce_max3A_173 : vector<16xi32>, vector<16xi1> -> vector<16xi32>
        %reduce_max3A_178 = arith.xori %reduce_max3A_177, %reduce_max3A_175 : vector<16xi32>
        %reduce_max3A_179 = vector.extract %reduce_max3A_178[15] : i32 from vector<16xi32>
        %gt3A = arith.constant 0 : i32
        %gt3A_180 = arith.cmpi sgt, %select_n3A, %gt3A : i32
        %select_n3A_181 = arith.select %gt3A_180, %sub3A_152, %scan3A_117 : i32
        %gt3A_182 = arith.constant 0 : i32
        %gt3A_183 = arith.cmpi sgt, %select_n3A, %gt3A_182 : i32
        %sub3A_184 = arith.subi %reduce_max3A_165, %reduce_max3A_179 : i32
        %select_n3A_185 = arith.select %gt3A_183, %sub3A_184, %scan3A_118 : i32
        %gt3A_186 = arith.constant 0 : i32
        %gt3A_187 = arith.cmpi sgt, %select_n3A, %gt3A_186 : i32
        %jit3A_188 = arith.constant 1 : i32
        %select_n3A_189 = arith.select %gt3A_187, %jit3A_188, %scan3A_116 : i32
        %reduce_sum3A = arith.constant true
        %reduce_sum3A_190 = vector.broadcast %reduce_sum3A : i1 to vector<16xi1>
        %reduce_sum3A_191 = tpu.scan <sum>, %get3A_123 masked %reduce_sum3A_190 : vector<16xi32>, vector<16xi1> -> vector<16xi32>
        %reduce_sum3A_192 = vector.extract %reduce_sum3A_191[15] : i32 from vector<16xi32>
        %add3A_193 = arith.addi %scan3A_115, %reduce_sum3A_192 : i32
        scf.yield %add3A_193, %select_n3A_189, %select_n3A_181, %select_n3A_185 : i32, i32, i32, i32
      }
      %scan3A_50 = arith.constant 16 : i32
      %shift_left3A_51 = arith.constant 16 : i32
      %shift_left3A_52 = arith.shli %scan3A_49#2, %shift_left3A_51 : i32
      %or3A_53 = arith.ori %or3A_27, %shift_left3A_52 : i32
      %sub3A_54 = arith.subi %sub3A_28, %scan3A_49#3 : i32
      %scan3A_55 = arith.constant 0 : i32
      %scan3A_56 = arith.constant 0 : i32
      %scan3A_57 = arith.constant 16 : i32
      %scan3A_58 = arith.addi %scan3A_56, %scan3A_57 : i32
      %scan3A_59 = arith.constant 1 : i32
      scf.for %scan3A_114 = %scan3A_56 to %scan3A_58 step %scan3A_59  : i32 {
        %broadcast_in_dim3A = arith.constant 0 : i32
        %broadcast_in_dim3A_115 = vector.broadcast %broadcast_in_dim3A : i32 to vector<16xi32>
        %mul3A_116 = arith.constant 16 : i32
        %mul3A_117 = arith.muli %scan3A_114, %mul3A_116 : i32
        %swap3A = arith.index_cast %mul3A_117 : i32 to index
        %swap3A_118 = tpu.vector_load %arg6[%swap3A] {strides = array<i32>} : memref<256xi32, #tpu.memory_space<vmem>>, vector<16xi32>,
        tpu.vector_store %arg6[%swap3A], %broadcast_in_dim3A_115 {strides = array<i32>} : memref<256xi32, #tpu.memory_space<vmem>>, vector<16xi32>,
      }
      %scan3A_60 = arith.constant 16 : i32
      %scan3A_61 = arith.constant 0 : i32
      %scan3A_62 = arith.constant 0 : i32
      %scan3A_63 = arith.constant 256 : i32
      %scan3A_64 = arith.addi %scan3A_62, %scan3A_63 : i32
      %scan3A_65 = arith.constant 1 : i32
      scf.for %scan3A_114 = %scan3A_62 to %scan3A_64 step %scan3A_65  : i32 {
        %mul3A_115 = arith.constant 16 : i32
        %mul3A_116 = arith.muli %scan3A_114, %mul3A_115 : i32
        %get3A = arith.index_cast %mul3A_116 : i32 to index
        %get3A_117 = tpu.vector_load %arg5[%get3A] {strides = array<i32>} : memref<4096xi32, #tpu.memory_space<vmem>>, vector<16xi32>,
        %shift_right_logical3A = arith.constant 8 : i32
        %shift_right_logical3A_118 = vector.broadcast %shift_right_logical3A : i32 to vector<16xi32>
        %shift_right_logical3A_119 = arith.shrui %get3A_117, %shift_right_logical3A_118 : vector<16xi32>
        %and3A = arith.constant 255 : i32
        %and3A_120 = vector.broadcast %and3A : i32 to vector<16xi32>
        %and3A_121 = arith.andi %shift_right_logical3A_119, %and3A_120 : vector<16xi32>
        %shift_right_logical3A_122 = arith.constant 16 : i32
        %shift_right_logical3A_123 = vector.broadcast %shift_right_logical3A_122 : i32 to vector<16xi32>
        %shift_right_logical3A_124 = arith.shrui %get3A_117, %shift_right_logical3A_123 : vector<16xi32>
        %shift_right_logical3A_125 = arith.constant 16 : i32
        %shift_right_logical3A_126 = arith.shrui %or3A_53, %shift_right_logical3A_125 : i32
        %broadcast_in_dim3A = arith.constant 1 : i32
        %broadcast_in_dim3A_127 = vector.broadcast %broadcast_in_dim3A : i32 to vector<16xi32>
        %eq3A = vector.broadcast %shift_right_logical3A_126 : i32 to vector<16xi32>
        %eq3A_128 = arith.cmpi eq, %shift_right_logical3A_124, %eq3A : vector<16xi32>
        tpu.vector_store_idx %arg6[%and3A_121], %broadcast_in_dim3A_127 masked %eq3A_128 {add = true} : memref<256xi32, #tpu.memory_space<vmem>>[vector<16xi32>], vector<16xi32>, vector<16xi1>
      }
      %scan3A_66 = arith.constant 256 : i32
      %scan3A_67 = arith.constant 0 : i32
      %scan3A_68 = arith.constant 0 : i32
      %scan3A_69 = arith.constant 0 : i32
      %scan3A_70 = arith.constant 0 : i32
      %scan3A_71 = arith.constant 0 : i32
      %scan3A_72 = arith.constant 16 : i32
      %scan3A_73 = arith.addi %scan3A_71, %scan3A_72 : i32
      %scan3A_74 = arith.constant 1 : i32
      %scan3A_75:4 = scf.for %scan3A_114 = %scan3A_71 to %scan3A_73 step %scan3A_74 iter_args(%scan3A_115 = %scan3A_67, %scan3A_116 = %scan3A_68, %scan3A_117 = %scan3A_69, %scan3A_118 = %scan3A_70) -> (i32, i32, i32, i32)  : i32 {
        %mul3A_119 = arith.constant 16 : i32
        %mul3A_120 = arith.muli %scan3A_114, %mul3A_119 : i32
        %sub3A_121 = arith.constant 240 : i32
        %sub3A_122 = arith.subi %sub3A_121, %mul3A_120 : i32
        %get3A = arith.index_cast %sub3A_122 : i32 to index
        %get3A_123 = tpu.vector_load %arg6[%get3A] {strides = array<i32>} : memref<256xi32, #tpu.memory_space<vmem>>, vector<16xi32>,
        %rev3A = arith.constant 15 : i32
        %rev3A_124 = vector.broadcast %rev3A : i32 to vector<16xi32>
        %rev3A_125 = tpu.iota {dimensions = array<i32: 0>} : vector<16xi32>
        %rev3A_126 = arith.subi %rev3A_124, %rev3A_125 : vector<16xi32>
        %rev3A_127 = tpu.dynamic_gather %get3A_123[%rev3A_126] in [0] : vector<16xi32>, vector<16xi32> -> vector<16xi32>
        %broadcast_in_dim3A = arith.constant true
        %broadcast_in_dim3A_128 = vector.broadcast %broadcast_in_dim3A : i1 to vector<16xi1>
        %masked_cumsum3A = tpu.scan <sum>, %rev3A_127 masked %broadcast_in_dim3A_128 : vector<16xi32>, vector<16xi1> -> vector<16xi32>
        %add3A_129 = vector.broadcast %scan3A_115 : i32 to vector<16xi32>
        %add3A_130 = arith.addi %masked_cumsum3A, %add3A_129 : vector<16xi32>
        %ge3A = vector.broadcast %sub3A_54 : i32 to vector<16xi32>
        %ge3A_131 = arith.cmpi sge, %add3A_130, %ge3A : vector<16xi32>
        %all_reduce_population_count3A = tpu.all_reduce %ge3A_131 {dim = 0 : i64, kind = #tpu.reduction_kind<sum>} : vector<16xi1> -> vector<16xi32>
        %reduce_max3A = arith.constant true
        %reduce_max3A_132 = vector.broadcast %reduce_max3A : i1 to vector<16xi1>
        %reduce_max3A_133 = arith.constant -2147483648 : i32
        %reduce_max3A_134 = vector.broadcast %reduce_max3A_133 : i32 to vector<16xi32>
        %reduce_max3A_135 = arith.xori %all_reduce_population_count3A, %reduce_max3A_134 : vector<16xi32>
        %reduce_max3A_136 = tpu.scan <max>, %reduce_max3A_135 masked %reduce_max3A_132 : vector<16xi32>, vector<16xi1> -> vector<16xi32>
        %reduce_max3A_137 = arith.xori %reduce_max3A_136, %reduce_max3A_134 : vector<16xi32>
        %reduce_max3A_138 = vector.extract %reduce_max3A_137[15] : i32 from vector<16xi32>
        %eq3A = arith.constant 0 : i32
        %eq3A_139 = arith.cmpi eq, %scan3A_116, %eq3A : i32
        %jit3A = arith.constant 0 : i32
        %select_n3A = arith.select %eq3A_139, %reduce_max3A_138, %jit3A : i32
        %all_reduce_ffs3A = tpu.all_reduce %ge3A_131 {dim = 0 : i64, kind = #tpu.reduction_kind<find_first_set>} : vector<16xi1> -> vector<16xi32>
        %reduce_max3A_140 = arith.constant true
        %reduce_max3A_141 = vector.broadcast %reduce_max3A_140 : i1 to vector<16xi1>
        %reduce_max3A_142 = arith.constant -2147483648 : i32
        %reduce_max3A_143 = vector.broadcast %reduce_max3A_142 : i32 to vector<16xi32>
        %reduce_max3A_144 = arith.xori %all_reduce_ffs3A, %reduce_max3A_143 : vector<16xi32>
        %reduce_max3A_145 = tpu.scan <max>, %reduce_max3A_144 masked %reduce_max3A_141 : vector<16xi32>, vector<16xi1> -> vector<16xi32>
        %reduce_max3A_146 = arith.xori %reduce_max3A_145, %reduce_max3A_143 : vector<16xi32>
        %reduce_max3A_147 = vector.extract %reduce_max3A_146[15] : i32 from vector<16xi32>
        %add3A_148 = arith.constant 16 : i32
        %add3A_149 = arith.addi %sub3A_122, %add3A_148 : i32
        %sub3A_150 = arith.constant 1 : i32
        %sub3A_151 = arith.subi %add3A_149, %sub3A_150 : i32
        %sub3A_152 = arith.subi %sub3A_151, %reduce_max3A_147 : i32
        %iota3A = tpu.iota {dimensions = array<i32: 0>} : vector<16xi32>
        %eq3A_153 = vector.broadcast %reduce_max3A_147 : i32 to vector<16xi32>
        %eq3A_154 = arith.cmpi eq, %iota3A, %eq3A_153 : vector<16xi32>
        %jit3A_155 = arith.constant -2147483648 : i32
        %broadcast_in_dim3A_156 = vector.broadcast %jit3A_155 : i32 to vector<16xi32>
        %select_n3A_157 = arith.select %eq3A_154, %add3A_130, %broadcast_in_dim3A_156 : vector<16xi1>, vector<16xi32>
        %reduce_max3A_158 = arith.constant true
        %reduce_max3A_159 = vector.broadcast %reduce_max3A_158 : i1 to vector<16xi1>
        %reduce_max3A_160 = arith.constant -2147483648 : i32
        %reduce_max3A_161 = vector.broadcast %reduce_max3A_160 : i32 to vector<16xi32>
        %reduce_max3A_162 = arith.xori %select_n3A_157, %reduce_max3A_161 : vector<16xi32>
        %reduce_max3A_163 = tpu.scan <max>, %reduce_max3A_162 masked %reduce_max3A_159 : vector<16xi32>, vector<16xi1> -> vector<16xi32>
        %reduce_max3A_164 = arith.xori %reduce_max3A_163, %reduce_max3A_161 : vector<16xi32>
        %reduce_max3A_165 = vector.extract %reduce_max3A_164[15] : i32 from vector<16xi32>
        %iota3A_166 = tpu.iota {dimensions = array<i32: 0>} : vector<16xi32>
        %eq3A_167 = vector.broadcast %reduce_max3A_147 : i32 to vector<16xi32>
        %eq3A_168 = arith.cmpi eq, %iota3A_166, %eq3A_167 : vector<16xi32>
        %jit3A_169 = arith.constant -2147483648 : i32
        %broadcast_in_dim3A_170 = vector.broadcast %jit3A_169 : i32 to vector<16xi32>
        %select_n3A_171 = arith.select %eq3A_168, %rev3A_127, %broadcast_in_dim3A_170 : vector<16xi1>, vector<16xi32>
        %reduce_max3A_172 = arith.constant true
        %reduce_max3A_173 = vector.broadcast %reduce_max3A_172 : i1 to vector<16xi1>
        %reduce_max3A_174 = arith.constant -2147483648 : i32
        %reduce_max3A_175 = vector.broadcast %reduce_max3A_174 : i32 to vector<16xi32>
        %reduce_max3A_176 = arith.xori %select_n3A_171, %reduce_max3A_175 : vector<16xi32>
        %reduce_max3A_177 = tpu.scan <max>, %reduce_max3A_176 masked %reduce_max3A_173 : vector<16xi32>, vector<16xi1> -> vector<16xi32>
        %reduce_max3A_178 = arith.xori %reduce_max3A_177, %reduce_max3A_175 : vector<16xi32>
        %reduce_max3A_179 = vector.extract %reduce_max3A_178[15] : i32 from vector<16xi32>
        %gt3A = arith.constant 0 : i32
        %gt3A_180 = arith.cmpi sgt, %select_n3A, %gt3A : i32
        %select_n3A_181 = arith.select %gt3A_180, %sub3A_152, %scan3A_117 : i32
        %gt3A_182 = arith.constant 0 : i32
        %gt3A_183 = arith.cmpi sgt, %select_n3A, %gt3A_182 : i32
        %sub3A_184 = arith.subi %reduce_max3A_165, %reduce_max3A_179 : i32
        %select_n3A_185 = arith.select %gt3A_183, %sub3A_184, %scan3A_118 : i32
        %gt3A_186 = arith.constant 0 : i32
        %gt3A_187 = arith.cmpi sgt, %select_n3A, %gt3A_186 : i32
        %jit3A_188 = arith.constant 1 : i32
        %select_n3A_189 = arith.select %gt3A_187, %jit3A_188, %scan3A_116 : i32
        %reduce_sum3A = arith.constant true
        %reduce_sum3A_190 = vector.broadcast %reduce_sum3A : i1 to vector<16xi1>
        %reduce_sum3A_191 = tpu.scan <sum>, %get3A_123 masked %reduce_sum3A_190 : vector<16xi32>, vector<16xi1> -> vector<16xi32>
        %reduce_sum3A_192 = vector.extract %reduce_sum3A_191[15] : i32 from vector<16xi32>
        %add3A_193 = arith.addi %scan3A_115, %reduce_sum3A_192 : i32
        scf.yield %add3A_193, %select_n3A_189, %select_n3A_181, %select_n3A_185 : i32, i32, i32, i32
      }
      %scan3A_76 = arith.constant 16 : i32
      %shift_left3A_77 = arith.constant 8 : i32
      %shift_left3A_78 = arith.shli %scan3A_75#2, %shift_left3A_77 : i32
      %or3A_79 = arith.ori %or3A_53, %shift_left3A_78 : i32
      %sub3A_80 = arith.subi %sub3A_54, %scan3A_75#3 : i32
      %scan3A_81 = arith.constant 0 : i32
      %scan3A_82 = arith.constant 0 : i32
      %scan3A_83 = arith.constant 16 : i32
      %scan3A_84 = arith.addi %scan3A_82, %scan3A_83 : i32
      %scan3A_85 = arith.constant 1 : i32
      scf.for %scan3A_114 = %scan3A_82 to %scan3A_84 step %scan3A_85  : i32 {
        %broadcast_in_dim3A = arith.constant 0 : i32
        %broadcast_in_dim3A_115 = vector.broadcast %broadcast_in_dim3A : i32 to vector<16xi32>
        %mul3A_116 = arith.constant 16 : i32
        %mul3A_117 = arith.muli %scan3A_114, %mul3A_116 : i32
        %swap3A = arith.index_cast %mul3A_117 : i32 to index
        %swap3A_118 = tpu.vector_load %arg6[%swap3A] {strides = array<i32>} : memref<256xi32, #tpu.memory_space<vmem>>, vector<16xi32>,
        tpu.vector_store %arg6[%swap3A], %broadcast_in_dim3A_115 {strides = array<i32>} : memref<256xi32, #tpu.memory_space<vmem>>, vector<16xi32>,
      }
      %scan3A_86 = arith.constant 16 : i32
      %scan3A_87 = arith.constant 0 : i32
      %scan3A_88 = arith.constant 0 : i32
      %scan3A_89 = arith.constant 256 : i32
      %scan3A_90 = arith.addi %scan3A_88, %scan3A_89 : i32
      %scan3A_91 = arith.constant 1 : i32
      scf.for %scan3A_114 = %scan3A_88 to %scan3A_90 step %scan3A_91  : i32 {
        %mul3A_115 = arith.constant 16 : i32
        %mul3A_116 = arith.muli %scan3A_114, %mul3A_115 : i32
        %get3A = arith.index_cast %mul3A_116 : i32 to index
        %get3A_117 = tpu.vector_load %arg5[%get3A] {strides = array<i32>} : memref<4096xi32, #tpu.memory_space<vmem>>, vector<16xi32>,
        %shift_right_logical3A = arith.constant 0 : i32
        %shift_right_logical3A_118 = vector.broadcast %shift_right_logical3A : i32 to vector<16xi32>
        %shift_right_logical3A_119 = arith.shrui %get3A_117, %shift_right_logical3A_118 : vector<16xi32>
        %and3A = arith.constant 255 : i32
        %and3A_120 = vector.broadcast %and3A : i32 to vector<16xi32>
        %and3A_121 = arith.andi %shift_right_logical3A_119, %and3A_120 : vector<16xi32>
        %shift_right_logical3A_122 = arith.constant 8 : i32
        %shift_right_logical3A_123 = vector.broadcast %shift_right_logical3A_122 : i32 to vector<16xi32>
        %shift_right_logical3A_124 = arith.shrui %get3A_117, %shift_right_logical3A_123 : vector<16xi32>
        %shift_right_logical3A_125 = arith.constant 8 : i32
        %shift_right_logical3A_126 = arith.shrui %or3A_79, %shift_right_logical3A_125 : i32
        %broadcast_in_dim3A = arith.constant 1 : i32
        %broadcast_in_dim3A_127 = vector.broadcast %broadcast_in_dim3A : i32 to vector<16xi32>
        %eq3A = vector.broadcast %shift_right_logical3A_126 : i32 to vector<16xi32>
        %eq3A_128 = arith.cmpi eq, %shift_right_logical3A_124, %eq3A : vector<16xi32>
        tpu.vector_store_idx %arg6[%and3A_121], %broadcast_in_dim3A_127 masked %eq3A_128 {add = true} : memref<256xi32, #tpu.memory_space<vmem>>[vector<16xi32>], vector<16xi32>, vector<16xi1>
      }
      %scan3A_92 = arith.constant 256 : i32
      %scan3A_93 = arith.constant 0 : i32
      %scan3A_94 = arith.constant 0 : i32
      %scan3A_95 = arith.constant 0 : i32
      %scan3A_96 = arith.constant 0 : i32
      %scan3A_97 = arith.constant 0 : i32
      %scan3A_98 = arith.constant 16 : i32
      %scan3A_99 = arith.addi %scan3A_97, %scan3A_98 : i32
      %scan3A_100 = arith.constant 1 : i32
      %scan3A_101:4 = scf.for %scan3A_114 = %scan3A_97 to %scan3A_99 step %scan3A_100 iter_args(%scan3A_115 = %scan3A_93, %scan3A_116 = %scan3A_94, %scan3A_117 = %scan3A_95, %scan3A_118 = %scan3A_96) -> (i32, i32, i32, i32)  : i32 {
        %mul3A_119 = arith.constant 16 : i32
        %mul3A_120 = arith.muli %scan3A_114, %mul3A_119 : i32
        %sub3A_121 = arith.constant 240 : i32
        %sub3A_122 = arith.subi %sub3A_121, %mul3A_120 : i32
        %get3A = arith.index_cast %sub3A_122 : i32 to index
        %get3A_123 = tpu.vector_load %arg6[%get3A] {strides = array<i32>} : memref<256xi32, #tpu.memory_space<vmem>>, vector<16xi32>,
        %rev3A = arith.constant 15 : i32
        %rev3A_124 = vector.broadcast %rev3A : i32 to vector<16xi32>
        %rev3A_125 = tpu.iota {dimensions = array<i32: 0>} : vector<16xi32>
        %rev3A_126 = arith.subi %rev3A_124, %rev3A_125 : vector<16xi32>
        %rev3A_127 = tpu.dynamic_gather %get3A_123[%rev3A_126] in [0] : vector<16xi32>, vector<16xi32> -> vector<16xi32>
        %broadcast_in_dim3A = arith.constant true
        %broadcast_in_dim3A_128 = vector.broadcast %broadcast_in_dim3A : i1 to vector<16xi1>
        %masked_cumsum3A = tpu.scan <sum>, %rev3A_127 masked %broadcast_in_dim3A_128 : vector<16xi32>, vector<16xi1> -> vector<16xi32>
        %add3A_129 = vector.broadcast %scan3A_115 : i32 to vector<16xi32>
        %add3A_130 = arith.addi %masked_cumsum3A, %add3A_129 : vector<16xi32>
        %ge3A = vector.broadcast %sub3A_80 : i32 to vector<16xi32>
        %ge3A_131 = arith.cmpi sge, %add3A_130, %ge3A : vector<16xi32>
        %all_reduce_population_count3A = tpu.all_reduce %ge3A_131 {dim = 0 : i64, kind = #tpu.reduction_kind<sum>} : vector<16xi1> -> vector<16xi32>
        %reduce_max3A = arith.constant true
        %reduce_max3A_132 = vector.broadcast %reduce_max3A : i1 to vector<16xi1>
        %reduce_max3A_133 = arith.constant -2147483648 : i32
        %reduce_max3A_134 = vector.broadcast %reduce_max3A_133 : i32 to vector<16xi32>
        %reduce_max3A_135 = arith.xori %all_reduce_population_count3A, %reduce_max3A_134 : vector<16xi32>
        %reduce_max3A_136 = tpu.scan <max>, %reduce_max3A_135 masked %reduce_max3A_132 : vector<16xi32>, vector<16xi1> -> vector<16xi32>
        %reduce_max3A_137 = arith.xori %reduce_max3A_136, %reduce_max3A_134 : vector<16xi32>
        %reduce_max3A_138 = vector.extract %reduce_max3A_137[15] : i32 from vector<16xi32>
        %eq3A = arith.constant 0 : i32
        %eq3A_139 = arith.cmpi eq, %scan3A_116, %eq3A : i32
        %jit3A = arith.constant 0 : i32
        %select_n3A = arith.select %eq3A_139, %reduce_max3A_138, %jit3A : i32
        %all_reduce_ffs3A = tpu.all_reduce %ge3A_131 {dim = 0 : i64, kind = #tpu.reduction_kind<find_first_set>} : vector<16xi1> -> vector<16xi32>
        %reduce_max3A_140 = arith.constant true
        %reduce_max3A_141 = vector.broadcast %reduce_max3A_140 : i1 to vector<16xi1>
        %reduce_max3A_142 = arith.constant -2147483648 : i32
        %reduce_max3A_143 = vector.broadcast %reduce_max3A_142 : i32 to vector<16xi32>
        %reduce_max3A_144 = arith.xori %all_reduce_ffs3A, %reduce_max3A_143 : vector<16xi32>
        %reduce_max3A_145 = tpu.scan <max>, %reduce_max3A_144 masked %reduce_max3A_141 : vector<16xi32>, vector<16xi1> -> vector<16xi32>
        %reduce_max3A_146 = arith.xori %reduce_max3A_145, %reduce_max3A_143 : vector<16xi32>
        %reduce_max3A_147 = vector.extract %reduce_max3A_146[15] : i32 from vector<16xi32>
        %add3A_148 = arith.constant 16 : i32
        %add3A_149 = arith.addi %sub3A_122, %add3A_148 : i32
        %sub3A_150 = arith.constant 1 : i32
        %sub3A_151 = arith.subi %add3A_149, %sub3A_150 : i32
        %sub3A_152 = arith.subi %sub3A_151, %reduce_max3A_147 : i32
        %iota3A = tpu.iota {dimensions = array<i32: 0>} : vector<16xi32>
        %eq3A_153 = vector.broadcast %reduce_max3A_147 : i32 to vector<16xi32>
        %eq3A_154 = arith.cmpi eq, %iota3A, %eq3A_153 : vector<16xi32>
        %jit3A_155 = arith.constant -2147483648 : i32
        %broadcast_in_dim3A_156 = vector.broadcast %jit3A_155 : i32 to vector<16xi32>
        %select_n3A_157 = arith.select %eq3A_154, %add3A_130, %broadcast_in_dim3A_156 : vector<16xi1>, vector<16xi32>
        %reduce_max3A_158 = arith.constant true
        %reduce_max3A_159 = vector.broadcast %reduce_max3A_158 : i1 to vector<16xi1>
        %reduce_max3A_160 = arith.constant -2147483648 : i32
        %reduce_max3A_161 = vector.broadcast %reduce_max3A_160 : i32 to vector<16xi32>
        %reduce_max3A_162 = arith.xori %select_n3A_157, %reduce_max3A_161 : vector<16xi32>
        %reduce_max3A_163 = tpu.scan <max>, %reduce_max3A_162 masked %reduce_max3A_159 : vector<16xi32>, vector<16xi1> -> vector<16xi32>
        %reduce_max3A_164 = arith.xori %reduce_max3A_163, %reduce_max3A_161 : vector<16xi32>
        %reduce_max3A_165 = vector.extract %reduce_max3A_164[15] : i32 from vector<16xi32>
        %iota3A_166 = tpu.iota {dimensions = array<i32: 0>} : vector<16xi32>
        %eq3A_167 = vector.broadcast %reduce_max3A_147 : i32 to vector<16xi32>
        %eq3A_168 = arith.cmpi eq, %iota3A_166, %eq3A_167 : vector<16xi32>
        %jit3A_169 = arith.constant -2147483648 : i32
        %broadcast_in_dim3A_170 = vector.broadcast %jit3A_169 : i32 to vector<16xi32>
        %select_n3A_171 = arith.select %eq3A_168, %rev3A_127, %broadcast_in_dim3A_170 : vector<16xi1>, vector<16xi32>
        %reduce_max3A_172 = arith.constant true
        %reduce_max3A_173 = vector.broadcast %reduce_max3A_172 : i1 to vector<16xi1>
        %reduce_max3A_174 = arith.constant -2147483648 : i32
        %reduce_max3A_175 = vector.broadcast %reduce_max3A_174 : i32 to vector<16xi32>
        %reduce_max3A_176 = arith.xori %select_n3A_171, %reduce_max3A_175 : vector<16xi32>
        %reduce_max3A_177 = tpu.scan <max>, %reduce_max3A_176 masked %reduce_max3A_173 : vector<16xi32>, vector<16xi1> -> vector<16xi32>
        %reduce_max3A_178 = arith.xori %reduce_max3A_177, %reduce_max3A_175 : vector<16xi32>
        %reduce_max3A_179 = vector.extract %reduce_max3A_178[15] : i32 from vector<16xi32>
        %gt3A = arith.constant 0 : i32
        %gt3A_180 = arith.cmpi sgt, %select_n3A, %gt3A : i32
        %select_n3A_181 = arith.select %gt3A_180, %sub3A_152, %scan3A_117 : i32
        %gt3A_182 = arith.constant 0 : i32
        %gt3A_183 = arith.cmpi sgt, %select_n3A, %gt3A_182 : i32
        %sub3A_184 = arith.subi %reduce_max3A_165, %reduce_max3A_179 : i32
        %select_n3A_185 = arith.select %gt3A_183, %sub3A_184, %scan3A_118 : i32
        %gt3A_186 = arith.constant 0 : i32
        %gt3A_187 = arith.cmpi sgt, %select_n3A, %gt3A_186 : i32
        %jit3A_188 = arith.constant 1 : i32
        %select_n3A_189 = arith.select %gt3A_187, %jit3A_188, %scan3A_116 : i32
        %reduce_sum3A = arith.constant true
        %reduce_sum3A_190 = vector.broadcast %reduce_sum3A : i1 to vector<16xi1>
        %reduce_sum3A_191 = tpu.scan <sum>, %get3A_123 masked %reduce_sum3A_190 : vector<16xi32>, vector<16xi1> -> vector<16xi32>
        %reduce_sum3A_192 = vector.extract %reduce_sum3A_191[15] : i32 from vector<16xi32>
        %add3A_193 = arith.addi %scan3A_115, %reduce_sum3A_192 : i32
        scf.yield %add3A_193, %select_n3A_189, %select_n3A_181, %select_n3A_185 : i32, i32, i32, i32
      }
      %scan3A_102 = arith.constant 16 : i32
      %shift_left3A_103 = arith.constant 0 : i32
      %shift_left3A_104 = arith.shli %scan3A_101#2, %shift_left3A_103 : i32
      %or3A_105 = arith.ori %or3A_79, %shift_left3A_104 : i32
      %sub3A_106 = arith.subi %sub3A_80, %scan3A_101#3 : i32
      %xor3A = arith.xori %or3A_105, %cond3A : i32
      %scan3A_107 = arith.constant 0 : i32
      %scan3A_108 = arith.constant 0 : i32
      %scan3A_109 = arith.constant 256 : i32
      %scan3A_110 = arith.addi %scan3A_108, %scan3A_109 : i32
      %scan3A_111 = arith.constant 1 : i32
      %scan3A_112 = scf.for %scan3A_114 = %scan3A_108 to %scan3A_110 step %scan3A_111 iter_args(%scan3A_115 = %scan3A_107) -> (i32)  : i32 {
        %mul3A_116 = arith.constant 16 : i32
        %mul3A_117 = arith.muli %scan3A_114, %mul3A_116 : i32
        %get3A = arith.index_cast %mul3A_117 : i32 to index
        %get3A_118 = tpu.vector_load %arg5[%get3A] {strides = array<i32>} : memref<4096xi32, #tpu.memory_space<vmem>>, vector<16xi32>,
        %xor3A_119 = vector.broadcast %cond3A : i32 to vector<16xi32>
        %xor3A_120 = arith.xori %get3A_118, %xor3A_119 : vector<16xi32>
        %gt3A = vector.broadcast %xor3A : i32 to vector<16xi32>
        %gt3A_121 = arith.cmpi sgt, %xor3A_120, %gt3A : vector<16xi32>
        %eq3A = vector.broadcast %or3A_105 : i32 to vector<16xi32>
        %eq3A_122 = arith.cmpi eq, %get3A_118, %eq3A : vector<16xi32>
        %jit3A = arith.constant 1 : i32
        %jit3A_123 = arith.constant 0 : i32
        %broadcast_in_dim3A = vector.broadcast %jit3A : i32 to vector<16xi32>
        %broadcast_in_dim3A_124 = vector.broadcast %jit3A_123 : i32 to vector<16xi32>
        %select_n3A = arith.select %eq3A_122, %broadcast_in_dim3A, %broadcast_in_dim3A_124 : vector<16xi1>, vector<16xi32>
        %broadcast_in_dim3A_125 = arith.constant true
        %broadcast_in_dim3A_126 = vector.broadcast %broadcast_in_dim3A_125 : i1 to vector<16xi1>
        %masked_cumsum3A = tpu.scan <sum>, %select_n3A masked %broadcast_in_dim3A_126 : vector<16xi32>, vector<16xi1> -> vector<16xi32>
        %add3A_127 = vector.broadcast %scan3A_115 : i32 to vector<16xi32>
        %add3A_128 = arith.addi %masked_cumsum3A, %add3A_127 : vector<16xi32>
        %le3A = vector.broadcast %sub3A_106 : i32 to vector<16xi32>
        %le3A_129 = arith.cmpi sle, %add3A_128, %le3A : vector<16xi32>
        %and3A = arith.andi %eq3A_122, %le3A_129 : vector<16xi1>
        %or3A_130 = arith.ori %gt3A_121, %and3A : vector<16xi1>
        %jit3A_131 = arith.constant 1.000000e+00 : f32
        %jit3A_132 = arith.constant 0.000000e+00 : f32
        %broadcast_in_dim3A_133 = vector.broadcast %jit3A_131 : f32 to vector<16xf32>
        %broadcast_in_dim3A_134 = vector.broadcast %jit3A_132 : f32 to vector<16xf32>
        %select_n3A_135 = arith.select %or3A_130, %broadcast_in_dim3A_133, %broadcast_in_dim3A_134 : vector<16xi1>, vector<16xf32>
        %mul3A_136 = arith.constant 16 : i32
        %mul3A_137 = arith.muli %scan3A_114, %mul3A_136 : i32
        %swap3A = arith.index_cast %mul3A_137 : i32 to index
        %swap3A_138 = tpu.vector_load %arg4[%swap3A] {strides = array<i32>} : memref<4096xf32, #tpu.memory_space<vmem>>, vector<16xf32>,
        tpu.vector_store %arg4[%swap3A], %select_n3A_135 {strides = array<i32>} : memref<4096xf32, #tpu.memory_space<vmem>>, vector<16xf32>,
        %reduce_max3A = arith.constant true
        %reduce_max3A_139 = vector.broadcast %reduce_max3A : i1 to vector<16xi1>
        %reduce_max3A_140 = arith.constant -2147483648 : i32
        %reduce_max3A_141 = vector.broadcast %reduce_max3A_140 : i32 to vector<16xi32>
        %reduce_max3A_142 = arith.xori %masked_cumsum3A, %reduce_max3A_141 : vector<16xi32>
        %reduce_max3A_143 = tpu.scan <max>, %reduce_max3A_142 masked %reduce_max3A_139 : vector<16xi32>, vector<16xi1> -> vector<16xi32>
        %reduce_max3A_144 = arith.xori %reduce_max3A_143, %reduce_max3A_141 : vector<16xi32>
        %reduce_max3A_145 = vector.extract %reduce_max3A_144[15] : i32 from vector<16xi32>
        %add3A_146 = arith.addi %scan3A_115, %reduce_max3A_145 : i32
        scf.yield %add3A_146 : i32
      }
      %scan3A_113 = arith.constant 256 : i32
      "tpu.region"() ({
        %run_scoped3A = tpu.sem_alloc : memref<!tpu.dma_semaphore, #tpu.memory_space<semaphore_mem>>
        %dma_start3A = arith.constant 0 : i32
        %dma_start3A_114 = tpu.memref_slice %arg3[%add3A, %dma_start3A] : memref<4x4096xf32, #tpu.memory_space<hbm>> -> memref<1x4096xf32, #tpu.memory_space<hbm>>
        %dma_start3A_115 = tpu.memref_squeeze %dma_start3A_114 : memref<1x4096xf32, #tpu.memory_space<hbm>> -> memref<4096xf32, #tpu.memory_space<hbm>>
        %dma_start3A_116 = arith.constant 0 : i32
        %dma_start3A_117 = tpu.memref_slice %arg3[%add3A, %dma_start3A_116] : memref<4x4096xf32, #tpu.memory_space<hbm>> -> memref<1x4096xf32, #tpu.memory_space<hbm>>
        %dma_start3A_118 = tpu.memref_squeeze %dma_start3A_117 : memref<1x4096xf32, #tpu.memory_space<hbm>> -> memref<4096xf32, #tpu.memory_space<hbm>>
        tpu.enqueue_dma source(%arg4 : memref<4096xf32, #tpu.memory_space<vmem>>) target(%dma_start3A_118 : memref<4096xf32, #tpu.memory_space<hbm>>) target_semaphore(%run_scoped3A : memref<!tpu.dma_semaphore, #tpu.memory_space<semaphore_mem>>)
        %dma_wait3A = arith.constant 0 : i32
        %dma_wait3A_119 = tpu.memref_slice %arg3[%add3A, %dma_wait3A] : memref<4x4096xf32, #tpu.memory_space<hbm>> -> memref<1x4096xf32, #tpu.memory_space<hbm>>
        %dma_wait3A_120 = tpu.memref_squeeze %dma_wait3A_119 : memref<1x4096xf32, #tpu.memory_space<hbm>> -> memref<4096xf32, #tpu.memory_space<hbm>>
        %dma_wait3A_121 = arith.constant 0 : i32
        %dma_wait3A_122 = tpu.memref_slice %arg3[%add3A, %dma_wait3A_121] : memref<4x4096xf32, #tpu.memory_space<hbm>> -> memref<1x4096xf32, #tpu.memory_space<hbm>>
        %dma_wait3A_123 = tpu.memref_squeeze %dma_wait3A_122 : memref<1x4096xf32, #tpu.memory_space<hbm>> -> memref<4096xf32, #tpu.memory_space<hbm>>
        tpu.wait_dma2 semaphore(%run_scoped3A : memref<!tpu.dma_semaphore, #tpu.memory_space<semaphore_mem>>) src(%arg4 : memref<4096xf32, #tpu.memory_space<vmem>>) dst(%dma_wait3A_123 : memref<4096xf32, #tpu.memory_space<hbm>>)
        tpu.yield
      }) : () -> ()
    } else {
    }
    return
  }
}

module attributes {stable_mosaic.version = 14 : i64} {
  func.func @_tc_body(%arg0: i32, %arg1: i32, %arg2: memref<1x512x2048xf32, #tpu.memory_space<vmem>>, %arg3: memref<2048x1xf32, #tpu.memory_space<vmem>>, %arg4: memref<4x4096xf32, #tpu.memory_space<vmem>>) attributes {dimension_semantics = [#tpu.dimension_semantics<arbitrary>, #tpu.dimension_semantics<arbitrary>], iteration_bounds = array<i64: 4, 8>, scalar_prefetch = 0 : i64, scratch_operands = 0 : i64, tpu.core_type = #tpu.core_type<tc>, window_params = [{transform_indices = @transform_0, window_bounds = array<i64: 1, 512, 2048>}, {pipeline_mode = #tpu.pipeline_mode<synchronous>, transform_indices = @transform_1, window_bounds = array<i64: 2048, 1>}, {pipeline_mode = #tpu.pipeline_mode<synchronous>, transform_indices = @transform_2, window_bounds = array<i64: 4, 4096>}]} {
    %get3A = arith.constant 0 : index
    %get3A_0 = arith.constant 0 : index
    %get3A_1 = arith.constant 0 : index
    %get3A_2 = vector.load %arg2[%get3A, %get3A_0, %get3A_1] : memref<1x512x2048xf32, #tpu.memory_space<vmem>>, vector<1x512x2048xf32>
    %get3A_3 = vector.shape_cast %get3A_2 : vector<1x512x2048xf32> to vector<512x2048xf32>
    %convert_element_type3A = arith.truncf %get3A_3 : vector<512x2048xf32> to vector<512x2048xbf16>
    %get3A_4 = arith.constant 0 : index
    %get3A_5 = arith.constant 0 : index
    %get3A_6 = vector.load %arg3[%get3A_4, %get3A_5] : memref<2048x1xf32, #tpu.memory_space<vmem>>, vector<2048x1xf32>
    %convert_element_type3A_7 = arith.truncf %get3A_6 : vector<2048x1xf32> to vector<2048x1xbf16>
    %dot_general3A = arith.constant dense<0.000000e+00> : vector<512x1xf32>
    %dot_general3A_8 = tpu.matmul %convert_element_type3A, %convert_element_type3A_7, %dot_general3A {dimension_numbers = #tpu.dot_dimension_numbers<[1], [0], [0], [1], [0, 0, 1, 1], [], []>, transpose_lhs_hint = false} : vector<512x2048xbf16>, vector<2048x1xbf16>, vector<512x1xf32> -> vector<512x1xf32>
    %mul3A = arith.constant 512 : i32
    %mul3A_9 = arith.muli %arg1, %mul3A : i32
    %multiple_of3A = tpu.assume_multiple %mul3A_9, 512 : i32
    %squeeze3A = vector.shape_cast %dot_general3A_8 : vector<512x1xf32> to vector<512xf32>
    %broadcast_in_dim3A = vector.shape_cast %squeeze3A : vector<512xf32> to vector<1x512xf32>
    %swap3A = arith.index_cast %arg0 : i32 to index
    %swap3A_10 = arith.index_cast %multiple_of3A : i32 to index
    %swap3A_11 = vector.load %arg4[%swap3A, %swap3A_10] : memref<4x4096xf32, #tpu.memory_space<vmem>>, vector<1x512xf32>
    tpu.vector_store %arg4[%swap3A, %swap3A_10], %broadcast_in_dim3A {strides = array<i32>} : memref<4x4096xf32, #tpu.memory_space<vmem>>, vector<1x512xf32>,
    return
  }
  func.func @transform_0(%arg0: i32, %arg1: i32) -> (i32, i32, i32) {
    %c0_i32 = arith.constant 0 : i32
    %c0_i32_0 = arith.constant 0 : i32
    return %arg0, %arg1, %c0_i32 : i32, i32, i32
  }
  func.func @transform_1(%arg0: i32, %arg1: i32) -> (i32, i32) {
    %c0_i32 = arith.constant 0 : i32
    %c0_i32_0 = arith.constant 0 : i32
    %c0_i32_1 = arith.constant 0 : i32
    return %c0_i32, %c0_i32_0 : i32, i32
  }
  func.func @transform_2(%arg0: i32, %arg1: i32) -> (i32, i32) {
    %c0_i32 = arith.constant 0 : i32
    %c0_i32_0 = arith.constant 0 : i32
    %c0_i32_1 = arith.constant 0 : i32
    return %c0_i32, %c0_i32_0 : i32, i32
  }
}

</mosaic_0001>

<sc_bundles>
// kernel: kernel.4.cloned.1.call-start
scs
__scs_entry_jumppad:
0x0: {  	(pc) =	sbr.rel $0x88, $3  }
0x1: {  	(tag) =	ssettag $0x0;
	lr =	simm.s32 $0x1  }
0x2: {  	[smem:$0x3F9F] =	sst lr;
	_ =	strace $0xD0000000  }
0x3: {  	_ = 	snop  }
0x4: {  	_ = 	snop  }
0x5: {  	_ = 	snop  }
0x6: {  	_ = 	snop  }
0x7: {  	_ = 	snop  }
__scs_overlays_trampoline_lowered:
0x8: {  	[smem:$0x3FAE] =	sst s0  }
0x9: {  	[smem:$0x3FAF] =	sst s1  }
0xa: {  	[smem:$0x3FB0] =	sst s2  }
0xb: {  	[smem:$0x3FB1] =	sst s3  }
0xc: {  	[smem:$0x3FB2] =	sst s4  }
0xd: {  	[smem:$0x3FB3] =	sst s5  }
0xe: {  	[smem:$0x3FB4] =	sst s6  }
0xf: {  	[smem:$0x3FB5] =	sst s7  }
0x10: {  	[smem:$0x3FB6] =	sst s8  }
0x11: {  	[smem:$0x3FB7] =	sst s9;
	s0 =	simm.s32 @!p0 $0x0  }
0x12: {  	s1 =	sld [smem:$0x3F9D];
	s0 =	simm.s32 @p0 $0x1  }
0x13: {  	[smem:$0x3FB8] =	sst s0;
	s0 =	simm.s32 @!p1 $0x0  }
0x14: {  	s2 =	sld [smem:$0x3F9C];
	s0 =	simm.s32 @p1 $0x1  }
0x15: {  	[smem:$0x3FB9] =	sst s0;
	s0 =	simm.s32 @!p2 $0x0  }
0x16: {  	s3 =	sld [smem:$0x3FDB];
	s0 =	simm.s32 @p2 $0x1  }
0x17: {  	s4 =	simm.s32 $0x1BF5;
	[smem:$0x3FBB] =	sst s0  }
0x18: {  	s0 =	sld [smem:$0x3F9E];
	_ =	swait.ge [sflag:s4], $0x0  }
0x19: {  	s7 =	sld [smem:$0x3F9F]  }
0x1a: {  	s8 =	sadd.s32 $0xFFFFE003, lr  }
0x1b: {  	s9 =	sadd.s32 $0xFFFFFEF7, lr;
	s5 =	simm.s32 $0xFFFFFFFF;
	p2 =	slt.u32 s8, $0xFFFFF086  }
0x1c: {  	p1 =	slt.u32 s9, $0xF7A;
	s5 =	simm.s32 @!p2 $0x0  }
0x1d: {  	s5 =	simm.s32 @p1 $0x1;
	p0 =	seq.s32 s7, s2  }
0x1e: {  	s7 =	smul.u32 @!p0 $0xF7A, s2;
	p2 =	seq.s32 @!p0 s5, $0x0  }
0x1f: {  	s9 =	smul.u32 $0xF7A, s1;
	s8 =	simm.s32 @!p0 $0x1BF5;
	p2 =	por !p2, p0  }
0x20: {  	[sflag:s8] =	ssyncset.s32 @!p0 $0xFFFFF086;
	s6 =	sadd.s32 @!p0 s3, s7;
	s7 =	simm.s32 @!p0 $0x108  }
0x21: {  	s3 =	sadd.s32 s3, s9;
	s6 =	sadd.s32 @!p0 $0x88, s6;
	s7 =	simm.s32 @p2 $0x1082  }
0x22: {  	[simem:s7], [sflag:s8] =	dma.local @!p0 [hbm:s6], $0xF7A  }
0x23: {  	s9 =	sor.u32 $0xD0000000, s2;
	s6 =	simm.s32 $0x108;
	_ =	swait.ge @!p0 [sflag:s8], $0x0  }
0x24: {  	s3 =	sadd.s32 $0x88, s3;
	s6 =	simm.s32 @!p1 $0x1082;
	[sflag:s4] =	ssyncset.s32 $0xFFFFF086  }
0x25: {  	[simem:s6], [sflag:s4] =	dma.local [hbm:s3], $0xF7A  }
0x26: {  	[smem:$0x3F9F] =	sst s1;
	(tag) =	ssettag s2;
	_ =	strace s9  }
0x27: {  	s1 =	sld [smem:$0x3FAF]  }
0x28: {  	s2 =	sld [smem:$0x3FB0]  }
0x29: {  	s4 =	sld [smem:$0x3FB2]  }
0x2a: {  	p0 =	seq.s32 s5, $0x0;
	s5 =	sld [smem:$0x3FB3]  }
0x2b: {  	s6 =	sld [smem:$0x3FB4]  }
0x2c: {  	s7 =	sld [smem:$0x3FB5]  }
0x2d: {  	s3 =	simm.s32 $0x108;
	s8 =	sld [smem:$0x3FB6]  }
0x2e: {  	s3 =	simm.s32 @!p0 $0x1082;
	s9 =	sld [smem:$0x3FB7]  }
0x2f: {  	lr =	sadd.s32 s0, s3;
	s0 =	sld [smem:$0x3FAE]  }
0x30: {  	s3 =	sld [smem:$0x3FB1]  }
0x31: {  	[smem:$0x3FBA] =	sst s10  }
0x32: {  	s10 =	sld [smem:$0x3FB8];
	_ =	sdelay $0x3  }
0x33: {  	p0 =	seq.s32 s10, $0x1;
	s10 =	sld [smem:$0x3FBA];
	_ =	sdelay $0x3  }
0x34: {  	[smem:$0x3FBA] =	sst s10  }
0x35: {  	s10 =	sld [smem:$0x3FB9];
	_ =	sdelay $0x3  }
0x36: {  	p1 =	seq.s32 s10, $0x1;
	s10 =	sld [smem:$0x3FBA];
	_ =	sdelay $0x3  }
0x37: {  	[smem:$0x3FBA] =	sst s10  }
0x38: {  	s10 =	sld [smem:$0x3FBB]  }
0x39: {  	_ = 	snop;
	(pc) =	sbr.ind lr, $3  }
0x3a: {  	_ = 	snop  }
0x3b: {  	_ = 	snop  }
0x3c: {  	p2 =	seq.s32 s10, $0x1;
	s10 =	sld [smem:$0x3FBA]  }
0x3d: {  	_ =	shalt  }
0x3e: {  	_ =	shalt  }
0x3f: {  	_ =	shalt  }
0x40: {  	_ =	shalt  }
0x41: {  	_ =	shalt  }
0x42: {  	_ =	shalt  }
0x43: {  	_ =	shalt  }
0x44: {  	_ =	shalt  }
0x45: {  	_ =	shalt  }
0x46: {  	_ =	shalt  }
0x47: {  	_ =	shalt  }
0x48: {  	_ =	shalt  }
0x49: {  	_ =	shalt  }
0x4a: {  	_ =	shalt  }
0x4b: {  	_ =	shalt  }
0x4c: {  	_ =	shalt  }
0x4d: {  	_ =	shalt  }
0x4e: {  	_ =	shalt  }
0x4f: {  	_ =	shalt  }
0x50: {  	_ =	shalt  }
0x51: {  	_ =	shalt  }
0x52: {  	_ =	shalt  }
0x53: {  	_ =	shalt  }
0x54: {  	_ =	shalt  }
0x55: {  	_ =	shalt  }
0x56: {  	_ =	shalt  }
0x57: {  	_ =	shalt  }
0x58: {  	_ =	shalt  }
0x59: {  	_ =	shalt  }
0x5a: {  	_ =	shalt  }
0x5b: {  	_ =	shalt  }
0x5c: {  	_ =	shalt  }
0x5d: {  	_ =	shalt  }
0x5e: {  	_ =	shalt  }
0x5f: {  	_ =	shalt  }
0x60: {  	_ =	shalt  }
0x61: {  	_ =	shalt  }
0x62: {  	_ =	shalt  }
0x63: {  	_ =	shalt  }
0x64: {  	_ =	shalt  }
0x65: {  	_ =	shalt  }
0x66: {  	_ =	shalt  }
0x67: {  	_ =	shalt  }
0x68: {  	_ =	shalt  }
0x69: {  	_ =	shalt  }
0x6a: {  	_ =	shalt  }
0x6b: {  	_ =	shalt  }
0x6c: {  	_ =	shalt  }
0x6d: {  	_ =	shalt  }
0x6e: {  	_ =	shalt  }
0x6f: {  	_ =	shalt  }
0x70: {  	_ =	shalt  }
0x71: {  	_ =	shalt  }
0x72: {  	_ =	shalt  }
0x73: {  	_ =	shalt  }
0x74: {  	_ =	shalt  }
0x75: {  	_ =	shalt  }
0x76: {  	_ =	shalt  }
0x77: {  	_ =	shalt  }
0x78: {  	_ =	shalt  }
0x79: {  	_ =	shalt  }
0x7a: {  	_ =	shalt  }
0x7b: {  	_ =	shalt  }
0x7c: {  	_ =	shalt  }
0x7d: {  	_ =	shalt  }
0x7e: {  	_ =	shalt  }
0x7f: {  	_ =	shalt  }
0x80: {  	_ =	shalt  }
0x81: {  	_ =	shalt  }
0x82: {  	_ =	shalt  }
0x83: {  	_ =	shalt  }
0x84: {  	_ =	shalt  }
0x85: {  	_ =	shalt  }
0x86: {  	_ =	shalt  }
0x87: {  	_ =	shalt  }
.Lfunc_end0:
.L_simem_size_0:
called_computation_lowered:
.L_overlay_start_0:
0x88: {  	s2 =	sld [smem:$0x3FD9]  }
0x89: {  	s3 =	sld [smem:$0x3FFE];
	_ =	sdelay $0x1  }
0x8a: {  	s1 =	srdreg.scid  }
0x8b: {  	s0 =	sand.u32 $0x1, s1  }
0x8c: {  	s15 =	sshll.u32 s0, $0xA;
	s2 =	sadd.s32 s3, s2  }
0x8d: {  	s2 =	sadd.s32 s2, s15  }
0x8e: {  	[smem:$0x3FC6] =	sst s2  }
0x8f: {  	_ = 	snop  }
0x90: {  	s2 =	sld [smem:$0x3FD0];
	_ =	sdelay $0x2  }
0x91: {  	s16 =	simm.s32 $0xA;
	s4 =	simm.s32 $0x10  }
0x92: {  	[smem:s4], [sflag:s16] =	dma.local [hbm:s2], $0x1  }
0x93: {  	_ =	swait.eq [sflag:s16], $0x1  }
0x94: {  	[sflag:s16] =	ssyncset.done $0x0  }
0x95: {  	s17 =	sld [smem:$0x11];
	[sflag:s16] =	ssyncadd.s32 $0xFFFFFFFF  }
0x96: {  	s18 =	sld [smem:$0x12];
	(tm) =	ssettm $0x1  }
0x97: {  	s19 =	sld [smem:$0x3FFB];
	_ =	sdelay $0x3  }
0x98: {  	_ =	strace s19  }
0x99: {  	s4 =	sld [smem:$0x3FFC];
	_ =	sdelay $0x3  }
0x9a: {  	_ =	strace s4  }
0x9b: {  	s4 =	sld [smem:$0x3FFD];
	_ =	sdelay $0x3  }
0x9c: {  	_ =	strace s4  }
0x9d: {  	_ =	strace $0x8FFFFFFF  }
0x9e: {  	s20 =	sld [smem:$0x3FDB];
	_ =	sdelay $0x1  }
0x9f: {  	s5 =	simm.s32 $_scs_section_size  }
0xa0: {  	s6 =	simm.s32 $_size__tile_overlayer_lowered;
	s7 =	simm.s32 $_tile_overlayer_lowered  }
0xa1: {  	s23 =	simm.s32 $0x1BFF;
	s22 =	sshll.u32 s7, $0x1;
	s4 =	sadd.s32 s5, s20  }
0xa2: {  	s8 =	simm.s32 $0x0;
	s21 =	sshll.u32 s6, $0x1;
	s6 =	sadd.s32 s22, s4  }
0xa3: {  	[timem:s8], [sflag:s23] =	dma.local [hbm:s6], s21  }
0xa4: {  	_ =	swait.ge [sflag:s23], s21  }
0xa5: {  	s5 =	ssub.s32 $0x0, s21;
	[sflag:s23] =	ssyncset.done $0x0  }
0xa6: {  	[sflag:s23] =	ssyncadd.s32 s5;
	_ =	sdelay $0x1  }
0xa7: {  	s24 =	simm.s32 $0x1B8B  }
0xa8: {  	_ =	swait.ge [sflag:s24], $0x1  }
0xa9: {  	[sflag:s24] =	ssyncset.done $0x0  }
0xaa: {  	s25 =	simm.s32 $0x1B8E;
	[sflag:s24] =	ssyncadd.s32 $0xFFFFFFFF  }
0xab: {  	s26 =	simm.s32 $execute0_lowered;
	[smem:$0x3FD2] =	sst s25  }
0xac: {  	s5 =	sshll.u32 s26, $0x1;
	_ =	strace $0x80000046;
	[dreg:$0x1] =	wrdreg $0xFFFFFFFF  }
0xad: {  	s28 =	simm.s32 $_size_execute0_lowered;
	s4 =	sadd.s32 s4, s5;
	[dreg:$0x0] =	wrdreg $0x0  }
0xae: {  	s5 =	sshll.u32 s28, $0x1;
	[dreg:$0x2] =	wrdreg s4  }
0xaf: {  	[dreg:$0x3] =	wrdreg s5  }
0xb0: {  	[dreg:$0x4] =	wrdreg $0xC0  }
0xb1: {  	_ =	task [dreg:s8], $0x5FFFF  }
0xb2: {  	[dreg:$0x1] =	wrdreg $0xFFFFFFFF  }
0xb3: {  	[dreg:$0x0] =	wrdreg $0x60  }
0xb4: {  	[dreg:$0x2] =	wrdreg s18  }
0xb5: {  	[dreg:$0x3] =	wrdreg s17  }
0xb6: {  	[dreg:$0x4] =	wrdreg $0x9  }
0xb7: {  	_ =	task.clear_ibuf [dreg:s8], $0x5FFFF;
	_ =	strace $0x90000046  }
0xb8: {  	s29 =	simm.s32 $0x9;
	_ =	strace $0x80000048  }
0xb9: {  	_ =	swait.ge [sflag:s29], $0x1  }
0xba: {  	[sflag:s29] =	ssyncadd.s32 $0xFFFFFFFF  }
0xbb: {  	_ =	strace $0x90000048  }
0xbc: {  	_ =	sfence  }
0xbd: {  	s30 =	sld [smem:$0x0];
	_ =	sdelay $0x2  }
0xbe: {  	s31 =	sshll.u32 s1, $0xD;
	s1 =	sshrl.u32 s1, $0x2  }
0xbf: {  	s3 =	sand.u32 $0x4000, s31;
	s1 =	sadd.s32 s1, s30  }
0xc0: {  	s0 =	sor.u32 s3, s0;
	s1 =	sshll.u32 s1, $0x11  }
0xc1: {  	s0 =	sor.u32 s1, s0  }
0xc2: {  	s0 =	sadd.s32 $0x8F2B, s0  }
0xc3: {  	[sflag:s0] =	ssyncadd.remote.s32 $0x1  }
0xc4: {  	_ =	sfence.sel $0xFFFF  }
0xc5: {  	[dreg:$0x0] =	wrdreg $0xFFFFFFFF;
	(pc) =	sbr.abs _section_cstart, $3  }
0xc6: {  	[dreg:$0x1] =	wrdreg $0xFFFFFFFF  }
0xc7: {  	_ =	task.clear_ibuf [dreg:s8], $0x2FFFF;
	_ =	strace $0x9FFFFFFF  }
0xc8: {  	(tm) =	ssettm $0x7FFFFFFF  }
0xc9: {  	_ =	shalt  }
tec
execute0_lowered:
.L_overlay_start_1:
0x0: {  	(tag) =	ssettag $0x1  }
0x1: {  	s2 =	stileid.u32  }
0x2: {  	p0 =	sgt.u32 s2, $0x1  }
.Ltmp0:
0x3: {  	_ = 	snop;
	(pc) =	sbr.rel @p0 .LBB2_21-.Ltmp0, $4  }
0x4: {  	_ = 	snop  }
0x5: {  	s0 =	rddreg [dreg:$0x0];
	s3 =	simm.s32 $0x0  }
0x6: {  	[smem:$0x7FF] =	sst s3  }
0x7: {  	s1 =	rddreg [dreg:$0x1];
	_ =	strace $0x80000047  }
0x8: {  	s2 =	srdreg.scid  }
0x9: {  	s3 =	stileid.u32;
	s2 =	sand.u32 $0x1, s2  }
0xa: {  	s3 =	sshll.u32 s3, $0x5;
	s4 =	sshll.u32 s2, $0x4  }
0xb: {  	s9 =	simm.s32 $0x2000;
	s2 =	ssub.s32 $0x2, s2;
	s3 =	sor.u32 s4, s3  }
0xc: {  	v0 =	vlaneseq.u32;
	s29 =	sshrl.u32 s2, $0x1;
	s4 =	simm.s32 $0x0;
	s1 =	sadd.s32 s1, s3  }
0xd: {  	v4 =	vmul.u32 $0xFFFFFFFF, v0;
	s30 =	ssub.s32 s2, s29;
	s0 =	sadd.s32 s0, s3;
	[dreg:$0x3] =	wrdreg s1  }
0xe: {  	v1 =	vimm.s32 $0x0;
	v2 =	vimm.s32 $0x80;
	s2 =	simm.s32 $0x200;
	[dreg:$0x4] =	wrdreg s0;
	s31 =	smax.u32 s30, $0x1  }
0xf: {  	v3 =	vimm.s32 $0x1;
	v5 =	vimm.f32 $0.0e+00;
	v4 =	vadd.s32 $0xF, v4;
	s3 =	simm.s32 $0x1;
	s1 =	simm.s32 $0x80;
	[dreg:$0x5] =	wrdreg s31  }
.LBB2_2:
0x10: {  	[dreg:$0x6] =	wrdreg s4  }
0x11: {  	s12 =	simm.s32 $0x0;
	s0 =	rddreg [dreg:$0x4]  }
0x12: {  	[tilespmem:s12], [sflag:$0x1] =	stream.strided.gather [hbm4b:s0+s1], $0x1000, s2, s1, $0x38;
	[tilespmem:$0x2100] =	vst v63  }
0x13: {  	_ =	swait.ge [sflag:s3], $0x1000  }
0x14: {  	[sflag:s3] =	ssyncset.done $0x0  }
0x15: {  	[sflag:s3] =	ssyncadd.s32 $0xFFFFF000  }
0x16: {  	[tilespmem:$0x2000] =	vst v1  }
0x17: {  	[tilespmem:$0x2010] =	vst v1  }
0x18: {  	[tilespmem:$0x2020] =	vst v1  }
0x19: {  	[tilespmem:$0x2030] =	vst v1  }
0x1a: {  	[tilespmem:$0x2040] =	vst v1  }
0x1b: {  	[tilespmem:$0x2050] =	vst v1  }
0x1c: {  	[tilespmem:$0x2060] =	vst v1  }
0x1d: {  	[tilespmem:$0x2070] =	vst v1  }
0x1e: {  	[tilespmem:$0x2080] =	vst v1  }
0x1f: {  	[tilespmem:$0x2090] =	vst v1  }
0x20: {  	[tilespmem:$0x20A0] =	vst v1  }
0x21: {  	[tilespmem:$0x20B0] =	vst v1  }
0x22: {  	[tilespmem:$0x20C0] =	vst v1  }
0x23: {  	[tilespmem:$0x20D0] =	vst v1  }
0x24: {  	[tilespmem:$0x20E0] =	vst v1  }
0x25: {  	s0 =	simm.s32 $0x0;
	[tilespmem:$0x20F0] =	vst v1  }
.LBB2_3:
0x26: {  	s1 =	sshra.s32 s0, $0x2  }
0x27: {  	v6 =	vld [tilespmem:s1+$0x0];
	_ =	sdelay $0x4  }
0x28: {  	vm0 =	veq.f32 v6, $0.0e+00  }
0x29: {  	v6 =	vsel vm0, $0x0, v6  }
0x2a: {  	vm0 =	vlt.s32 v6, $0x0;
	v7 =	vxor.u32 $0x7FFFFFFF, v6  }
0x2b: {  	v6 =	vsel vm0, v7, v6  }
0x2c: {  	v7 =	vshrl.u32 v6, $0x18;
	vm0 =	vlt.s32 v6, $0x0  }
0x2d: {  	v7 =	vand.u32 $0x7F, v7;
	v8 =	vsel vm0, $0x0, v2  }
0x2e: {  	p0 =	sne.s32 s0, $0x3FC0;
	v7 =	vor.u32 v7, v8  }
.Ltmp1:
0x2f: {  	_ = 	snop;
	(pc) =	sbr.rel @p0 .LBB2_3-.Ltmp1, $4  }
0x30: {  	_ = 	snop  }
0x31: {  	v6 =	vxor.u32 $0x80000000, v6  }
0x32: {  	[tilespmem:s1+$0x1000] =	vst v6  }
0x33: {  	s0 =	sadd.s32 $0x40, s0;
	[tilespmem:v7+s9+$0x0] =	vst.idx.add.s32.msk $0xffff, v3  }
0x34: {  	s0 =	simm.s32 $0x20F0  }
0x35: {  	v6 =	vld [tilespmem:s0+$0x0];
	_ =	sdelay $0x4  }
0x36: {  	(xrf0) =	vadd.scan.msk.s32 $0xffff, v6;
	_ =	sdelay $0x1  }
0x37: {  	s30 =	simm.s32 $0x20E0  }
0x38: {  	v7 =	vld [tilespmem:s30+$0x0]  }
0x39: {  	v9 =	vperm.xlane v6, v4;
	_ =	sdelay $0x1  }
0x3a: {  	(xrf0) =	vadd.scan.msk.s32 $0xffff, v9;
	v6, _, _ =	vpop (xrf0)  }
0x3b: {  	(v2sf) =	vpush v6, $0xF  }
0x3c: {  	(xrf0) =	vadd.scan.msk.s32 $0xffff, v7;
	_ =	sdelay $0x1  }
0x3d: {  	s31 =	simm.s32 $0x20D0  }
0x3e: {  	v6 =	vld [tilespmem:s31+$0x0]  }
0x3f: {  	v10, _, _ =	vpop (xrf0)  }
0x40: {  	v8 =	vperm.xlane v7, v4;
	v10 =	vadd.s32 s12, v10  }
0x41: {  	v7, _, _ =	vpop (xrf0);
	vm0 =	vgt.s32 v10, $0x7FF  }
0x42: {  	(xrf0) =	vadd.scan.msk.s32 $0xffff, v8;
	(v2sf) =	vpush v7, $0xF;
	v7 =	vmpcnt.ones.xlane vm0  }
0x43: {  	v11 =	vmctz.xlane vm0;
	(xrf0) =	vadd.scan.msk.s32 $0xffff, v6  }
0x44: {  	v7 =	vxor.u32 $0x80000000, v7  }
0x45: {  	v11 =	vxor.u32 $0x80000000, v11;
	(xrf0) =	vmax.scan.msk.u32 $0xffff, v7  }
0x46: {  	(xrf0) =	vmax.scan.msk.u32 $0xffff, v11  }
0x47: {  	s1 =	simm.s32 $0x20C0  }
0x48: {  	v11 =	vld [tilespmem:s1+$0x0];
	v7, _, _ =	vpop (xrf0)  }
0x49: {  	v12, _, _ =	vpop (xrf0);
	s2 =	spop (v2sf)  }
0x4a: {  	v6 =	vperm.xlane v6, v4;
	(v2sf) =	vpush v12, $0xF;
	s0 =	sadd.s32 $0x0, s2  }
0x4b: {  	v12 =	vadd.s32 s0, v7;
	v7, _, _ =	vpop (xrf0)  }
0x4c: {  	(xrf0) =	vadd.scan.msk.s32 $0xffff, v6;
	vm0 =	vgt.s32 v12, $0x7FF;
	(v2sf) =	vpush v7, $0xF;
	v7, _, _ =	vpop (xrf0)  }
0x4d: {  	(xrf0) =	vadd.scan.msk.s32 $0xffff, v11;
	v13 =	vmpcnt.ones.xlane vm0;
	(v2sf) =	vpush v7, $0xF;
	_ =	sdelay $0x1  }
0x4e: {  	s1 =	simm.s32 $0x20B0;
	v7 =	vmctz.xlane vm0;
	v13 =	vxor.u32 $0x80000000, v13  }
0x4f: {  	v14 =	vld [tilespmem:s1+$0x0]  }
0x50: {  	s3 =	spop (v2sf);
	v7 =	vxor.u32 $0x80000000, v7;
	(xrf0) =	vmax.scan.msk.u32 $0xffff, v13  }
0x51: {  	s0 =	sadd.s32 s0, s3;
	(xrf0) =	vmax.scan.msk.u32 $0xffff, v7;
	v7 =	vperm.xlane v11, v4;
	v13, _, _ =	vpop (xrf0)  }
0x52: {  	v11 =	vadd.s32 s0, v13;
	v13, _, _ =	vpop (xrf0)  }
0x53: {  	(xrf0) =	vadd.scan.msk.s32 $0xffff, v7;
	vm0 =	vgt.s32 v11, $0x7FF;
	(v2sf) =	vpush v13, $0xF  }
0x54: {  	(xrf0) =	vadd.scan.msk.s32 $0xffff, v14;
	v13 =	vmpcnt.ones.xlane vm0;
	v15 =	vmctz.xlane vm0;
	_ =	sdelay $0x1  }
0x55: {  	v16, _, _ =	vpop (xrf0);
	v13 =	vxor.u32 $0x80000000, v13;
	v15 =	vxor.u32 $0x80000000, v15  }
0x56: {  	s4 =	simm.s32 $0x20A0;
	(v2sf) =	vpush v16, $0xF;
	v16, _, _ =	vpop (xrf0);
	(xrf0) =	vmax.scan.msk.u32 $0xffff, v13  }
0x57: {  	s5 =	spop (v2sf);
	(v2sf) =	vpush v16, $0xF;
	v13 =	vld [tilespmem:s4+$0x0];
	(xrf0) =	vmax.scan.msk.u32 $0xffff, v15  }
0x58: {  	s0 =	sadd.s32 s0, s5;
	v15, _, _ =	vpop (xrf0)  }
0x59: {  	v16 =	vperm.xlane v14, v4;
	v14, _, _ =	vpop (xrf0);
	v15 =	vadd.s32 s0, v15;
	s6 =	spop (v2sf)  }
0x5a: {  	(v2sf) =	vpush v14, $0xF;
	vm0 =	vgt.s32 v15, $0x7FF;
	s2 =	spop (v2sf)  }
0x5b: {  	(xrf0) =	vadd.scan.msk.s32 $0xffff, v16;
	v14 =	vmpcnt.ones.xlane vm0;
	s3 =	sxor.u32 $0x80000000, s2  }
0x5c: {  	v10 =	vxor.u32 $0x80000000, v10;
	v17 =	vmctz.xlane vm0;
	(xrf0) =	vadd.scan.msk.s32 $0xffff, v13;
	v18, _, _ =	vpop (xrf0);
	v19 =	vmov s3  }
0x5d: {  	(v2sf) =	vpush v18, $0xF;
	v18, _, _ =	vpop (xrf0);
	v14 =	vxor.u32 $0x80000000, v14;
	vm0 =	veq.s32 v19, v0  }
0x5e: {  	v17 =	vxor.u32 $0x80000000, v17;
	(v2sf) =	vpush v18, $0xF;
	(xrf0) =	vmax.scan.msk.u32 $0xffff, v14;
	v10 =	vnsel vm0, $0x0, v10  }
0x5f: {  	v9 =	vxor.u32 $0x80000000, v9;
	(xrf0) =	vmax.scan.msk.u32 $0xffff, v17  }
0x60: {  	v9 =	vnsel vm0, $0x0, v9;
	(xrf0) =	vmax.scan.msk.u32 $0xffff, v10  }
0x61: {  	v10, _, _ =	vpop (xrf0);
	(xrf0) =	vmax.scan.msk.u32 $0xffff, v9;
	s4 =	spop (v2sf)  }
0x62: {  	s7 =	simm.s32 $0x2090;
	v9 =	vperm.xlane v13, v4;
	v13, _, _ =	vpop (xrf0);
	s0 =	sadd.s32 s0, s4  }
0x63: {  	v14 =	vld [tilespmem:s7+$0x0];
	(v2sf) =	vpush v13, $0xF;
	v13 =	vadd.s32 s0, v10  }
0x64: {  	(xrf0) =	vadd.scan.msk.s32 $0xffff, v9;
	v10, _, _ =	vpop (xrf0);
	vm0 =	vgt.s32 v13, $0x7FF  }
0x65: {  	s8 =	spop (v2sf);
	(v2sf) =	vpush v10, $0xF;
	v10, _, _ =	vpop (xrf0);
	v17 =	vmpcnt.ones.xlane vm0  }
0x66: {  	s10 =	spop (v2sf);
	(v2sf) =	vpush v10, $0xF;
	v10, _, _ =	vpop (xrf0)  }
0x67: {  	v18 =	vmctz.xlane vm0;
	s16 =	sxor.u32 $0x80000000, s10;
	(v2sf) =	vpush v10, $0xF;
	v10, _, _ =	vpop (xrf0);
	v17 =	vxor.u32 $0x80000000, v17  }
0x68: {  	s21 =	simm.s32 $0x800000BF;
	s20 =	simm.s32 $0x800000AF;
	(xrf0) =	vadd.scan.msk.s32 $0xffff, v14;
	v19 =	vmov s16;
	(v2sf) =	vpush v10, $0xF  }
0x69: {  	s19 =	simm.s32 $0x8000009F;
	s17 =	simm.s32 $0x2080;
	v10 =	vxor.u32 $0x80000000, v12;
	v12 =	vxor.u32 $0x80000000, v18;
	(xrf0) =	vmax.scan.msk.u32 $0xffff, v17;
	vm0 =	veq.s32 v19, v0;
	s5 =	spop (v2sf)  }
0x6a: {  	s18 =	simm.s32 $0x8000008F;
	p0 =	por $0x1, $0x1;
	v8 =	vxor.u32 $0x80000000, v8;
	(xrf0) =	vmax.scan.msk.u32 $0xffff, v12;
	v10 =	vnsel vm0, $0x0, v10;
	v12 =	vld [tilespmem:s17+$0x0];
	v17, _, _ =	vpop (xrf0);
	s0 =	sadd.s32 s0, s5  }
0x6b: {  	s14 =	simm.s32 $0x8000007F;
	s13 =	simm.s32 $0x0;
	p1 =	sgt.u32 s6, $0x80000000;
	v8 =	vnsel vm0, $0x0, v8;
	(xrf0) =	vmax.scan.msk.u32 $0xffff, v10;
	v17 =	vadd.s32 s0, v17  }
0x6c: {  	s11 =	simm.s32 $0x0;
	p0 =	por !p0, !p1;
	v18 =	vperm.xlane v14, v4;
	(xrf0) =	vmax.scan.msk.u32 $0xffff, v8;
	s22 =	spop (v2sf);
	vm0 =	vgt.s32 v17, $0x7FF  }
0x6d: {  	s2 =	ssub.s32 $0x800000FF, s2;
	p1 =	por !p0, !p0;
	s23 =	spop (v2sf);
	v8 =	vmpcnt.ones.xlane vm0  }
0x6e: {  	s13 =	simm.s32 @p1 $0x1;
	s11 =	smov.u32 @p1 s2;
	v19 =	vxor.u32 $0x80000000, v11;
	(xrf0) =	vadd.scan.msk.s32 $0xffff, v18;
	v10, _, _ =	vpop (xrf0);
	v11 =	vmctz.xlane vm0;
	s24 =	sxor.u32 $0x80000000, s23  }
0x6f: {  	p1 =	por p1, p1;
	p4 =	seq.s32 s13, $0x0;
	p2 =	sgt.u32 s8, $0x80000000;
	(v2sf) =	vpush v10, $0xF;
	v20, _, _ =	vpop (xrf0);
	(xrf0) =	vadd.scan.msk.s32 $0xffff, v12;
	v14 =	vmov s24;
	v8 =	vxor.u32 $0x80000000, v8  }
0x70: {  	s15 =	simm.s32 $0x8000006F;
	p1 =	por p1, p1;
	p0 =	por !p4, !p2;
	v10 =	vxor.u32 $0x80000000, v7;
	v21, _, _ =	vpop (xrf0);
	v7 =	vxor.u32 $0x80000000, v11;
	(xrf0) =	vmax.scan.msk.u32 $0xffff, v8;
	vm0 =	veq.s32 v14, v0  }
0x71: {  	s1 =	ssub.s32 $0x800000EF, s10;
	p0 =	por !p0, !p0;
	s16 =	simm.s32 $0x8000004F;
	v22, _, _ =	vpop (xrf0);
	(xrf0) =	vmax.scan.msk.u32 $0xffff, v7;
	v7 =	vnsel vm0, $0x0, v19  }
0x72: {  	v6 =	vxor.u32 $0x80000000, v6;
	s13 =	simm.s32 @p0 $0x1;
	s11 =	smov.u32 @p0 s1;
	p0 =	por p0, p0;
	v11 =	vxor.u32 $0x80000000, v16;
	(v2sf) =	vpush v20, $0xF;
	v16, _, _ =	vpop (xrf0);
	(xrf0) =	vmax.scan.msk.u32 $0xffff, v7  }
0x73: {  	p5 =	seq.s32 s13, $0x0;
	p3 =	sgt.u32 s22, $0x80000000;
	v14 =	vxor.u32 $0x80000000, v15;
	v8 =	vxor.u32 $0x80000000, v9;
	(v2sf) =	vpush v21, $0xF;
	s25 =	spop (v2sf)  }
0x74: {  	s17 =	simm.s32 $0x8000005F;
	p2 =	por !p5, !p3;
	v9 =	vxor.u32 $0x80000000, v17;
	v6 =	vnsel vm0, $0x0, v6;
	v17, _, _ =	vpop (xrf0);
	(v2sf) =	vpush v22, $0xF;
	s24 =	sadd.s32 s0, s25  }
0x75: {  	s1 =	ssub.s32 $0x800000DF, s23;
	s23 =	simm.s32 $0x2070;
	(xrf0) =	vmax.scan.msk.u32 $0xffff, v6;
	v6 =	vadd.s32 s24, v17;
	s26 =	spop (v2sf);
	(v2sf) =	vpush v16, $0xF;
	v16 =	vperm.xlane v12, v4;
	v12, _, _ =	vpop (xrf0)  }
0x76: {  	p3 =	por !p2, !p2;
	p2 =	por p1, p1;
	v15 =	vld [tilespmem:s23+$0x0];
	v7 =	vxor.u32 $0x80000000, v18;
	vm0 =	vgt.s32 v6, $0x7FF;
	s28 =	spop (v2sf);
	(v2sf) =	vpush v12, $0xF;
	v18, _, _ =	vpop (xrf0)  }
0x77: {  	p1 =	por p0, p0;
	s13 =	simm.s32 @p3 $0x1;
	v17 =	vmpcnt.ones.xlane vm0;
	s30 =	spop (v2sf);
	(v2sf) =	vpush v18, $0xF;
	v18, _, _ =	vpop (xrf0)  }
0x78: {  	s11 =	smov.u32 @p3 s1;
	p0 =	por p3, p3;
	s31 =	spop (v2sf);
	(v2sf) =	vpush v18, $0xF;
	v18, _, _ =	vpop (xrf0)  }
0x79: {  	p6 =	seq.s32 s13, $0x0;
	s0 =	simm.s32 $0x8000003F;
	p4 =	sgt.u32 s26, $0x80000000;
	v17 =	vxor.u32 $0x80000000, v17;
	(v2sf) =	vpush v18, $0xF  }
0x7a: {  	v12 =	vxor.u32 $0x80000000, v6;
	s29 =	sxor.u32 $0x80000000, s28;
	p3 =	por !p6, !p4;
	v6 =	vxor.u32 $0x80000000, v16;
	(xrf0) =	vadd.scan.msk.s32 $0xffff, v16;
	v16 =	vmctz.xlane vm0;
	s1 =	ssub.s32 $0x800000CF, s28  }
0x7b: {  	p3 =	por !p3, !p3;
	s2 =	sxor.u32 $0x80000000, s30;
	(xrf0) =	vadd.scan.msk.s32 $0xffff, v15;
	v19 =	vmov s29;
	s3 =	sxor.u32 $0x80000000, s31  }
0x7c: {  	v13 =	vxor.u32 $0x80000000, v13;
	s13 =	simm.s32 @p3 $0x1;
	v16 =	vxor.u32 $0x80000000, v16;
	vm0 =	veq.s32 v19, v0;
	s11 =	smov.u32 @p3 s1;
	(xrf0) =	vmax.scan.msk.u32 $0xffff, v17;
	s22 =	ssub.s32 s2, s3;
	v17, _, _ =	vpop (xrf0)  }
.LBB2_5:
0x7d: {  	p4 =	sne.s32 s0, $0x8000000F  }
0x7e: {  	s23 =	sadd.s32 $0xFFFFFFF0, s23;
	s12 =	smov.u32 @p2 s22;
	s1 =	smov.u32 s21  }
0x7f: {  	(xrf0) =	vmax.scan.msk.u32 $0xffff, v16;
	v16 =	vnsel vm0, $0x0, v14;
	v18 =	vnsel vm0, $0x0, v10;
	(v2sf) =	vpush v17, $0xF;
	v14 =	vmovc v13;
	s21 =	smov.u32 s20;
	s20 =	smov.u32 s19;
	p2 =	por p1, p1  }
0x80: {  	v13 =	vmovc v9;
	v9 =	vmovc v12;
	v10 =	vmov v11;
	v11 =	vmov v8;
	v8 =	vmov v7;
	p1 =	por p0, p0;
	p0 =	por p3, p3;
	s19 =	smov.u32 s18  }
0x81: {  	v7 =	vmov v6;
	s18 =	smov.u32 s14;
	s14 =	smov.u32 s15;
	v17 =	vld [tilespmem:s23+$0x0];
	s2 =	spop (v2sf);
	(xrf0) =	vmax.scan.msk.u32 $0xffff, v16  }
0x82: {  	s15 =	smov.u32 s17;
	s17 =	smov.u32 s16;
	v6, _, _ =	vpop (xrf0);
	s24 =	sadd.s32 s24, s2;
	(xrf0) =	vmax.scan.msk.u32 $0xffff, v18  }
0x83: {  	s16 =	smov.u32 s0;
	p3 =	seq.s32 s13, $0x0;
	v18 =	vperm.xlane v15, v4;
	v12, _, _ =	vpop (xrf0);
	v6 =	vadd.s32 s24, v6;
	s2 =	spop (v2sf)  }
.Ltmp2:
0x84: {  	(v2sf) =	vpush v12, $0xF;
	vm0 =	vgt.s32 v6, $0x7FF;
	v12 =	vxor.u32 $0x80000000, v6;
	p5 =	sgt.u32 s2, $0x80000000;
	s2 =	spop (v2sf);
	(pc) =	sbr.rel @p4 .LBB2_5-.Ltmp2, $4  }
0x85: {  	v6 =	vxor.u32 $0x80000000, v18;
	(xrf0) =	vadd.scan.msk.s32 $0xffff, v18;
	v16 =	vmpcnt.ones.xlane vm0;
	v21 =	vmctz.xlane vm0;
	v15, _, _ =	vpop (xrf0);
	s3 =	sxor.u32 $0x80000000, s2;
	p3 =	por !p3, !p5;
	s4 =	spop (v2sf)  }
0x86: {  	(xrf0) =	vadd.scan.msk.s32 $0xffff, v17;
	(v2sf) =	vpush v15, $0xF;
	v19, _, _ =	vpop (xrf0);
	v20 =	vmov s3;
	p3 =	por !p3, !p3;
	s3 =	sxor.u32 $0x80000000, s4;
	s4 =	spop (v2sf);
	v15 =	vmov v17  }
0x87: {  	s1 =	ssub.s32 s1, s2;
	v22 =	vxor.u32 $0x80000000, v16;
	v16 =	vxor.u32 $0x80000000, v21;
	(v2sf) =	vpush v19, $0xF;
	s13 =	simm.s32 @p3 $0x1;
	v18, _, _ =	vpop (xrf0);
	s2 =	sxor.u32 $0x80000000, s4  }
0x88: {  	s0 =	sadd.s32 $0xFFFFFFF0, s0;
	vm0 =	veq.s32 v20, v0;
	s11 =	smov.u32 @p3 s1;
	(xrf0) =	vmax.scan.msk.u32 $0xffff, v22;
	(v2sf) =	vpush v18, $0xF;
	v17, _, _ =	vpop (xrf0);
	s22 =	ssub.s32 s3, s2  }
0x89: {  	_ = 	snop  }
0x8a: {  	s0 =	sadd.s32 $0xFFFFFFF0, s23;
	(xrf0) =	vmax.scan.msk.u32 $0xffff, v16;
	s1 =	spop (v2sf)  }
0x8b: {  	v52 =	vnsel vm0, $0x0, v14;
	v18 =	vld [tilespmem:s0+$0x0];
	s1 =	sadd.s32 s24, s1;
	v53, _, _ =	vpop (xrf0)  }
0x8c: {  	v19 =	vnsel vm0, $0x0, v10;
	(v2sf) =	vpush v17, $0xF;
	v54, _, _ =	vpop (xrf0);
	v14 =	vadd.s32 s1, v53  }
0x8d: {  	v10 =	vperm.xlane v15, v4;
	s2 =	spop (v2sf);
	(xrf0) =	vmax.scan.msk.u32 $0xffff, v52;
	(v2sf) =	vpush v54, $0xF;
	vm4 =	vgt.s32 v14, $0x7FF  }
0x8e: {  	s23 =	spop (v2sf);
	(xrf0) =	vmax.scan.msk.u32 $0xffff, v19;
	v55 =	vmpcnt.ones.xlane vm4  }
0x8f: {  	s30 =	sxor.u32 $0x80000000, s23;
	(xrf0) =	vadd.scan.msk.s32 $0xffff, v10;
	v56 =	vmctz.xlane vm4;
	v57, _, _ =	vpop (xrf0)  }
0x90: {  	s3 =	sadd.s32 $0xFFFFFFF0, s0;
	v59 =	vmov s30;
	(xrf0) =	vadd.scan.msk.s32 $0xffff, v18;
	(v2sf) =	vpush v57, $0xF;
	v58, _, _ =	vpop (xrf0);
	v15 =	vxor.u32 $0x80000000, v55  }
0x91: {  	v60 =	vld [tilespmem:s3+$0x0];
	vm5 =	veq.s32 v59, v0;
	v16 =	vxor.u32 $0x80000000, v56;
	(v2sf) =	vpush v58, $0xF;
	(xrf0) =	vmax.scan.msk.u32 $0xffff, v15  }
0x92: {  	v13 =	vnsel vm5, $0x0, v13;
	(xrf0) =	vmax.scan.msk.u32 $0xffff, v16  }
0x93: {  	v62 =	vnsel vm5, $0x0, v11;
	v63 =	vperm.xlane v18, v4;
	v61, _, _ =	vpop (xrf0);
	(xrf0) =	vmax.scan.msk.u32 $0xffff, v13  }
0x94: {  	s7 =	spop (v2sf);
	v24, _, _ =	vpop (xrf0);
	(xrf0) =	vmax.scan.msk.u32 $0xffff, v62  }
0x95: {  	s25 =	spop (v2sf);
	v25, _, _ =	vpop (xrf0);
	(xrf0) =	vadd.scan.msk.s32 $0xffff, v63  }
0x96: {  	(v2sf) =	vpush v61, $0xF;
	s31 =	spop (v2sf);
	v26, _, _ =	vpop (xrf0);
	(xrf0) =	vadd.scan.msk.s32 $0xffff, v60  }
0x97: {  	(v2sf) =	vpush v24, $0xF;
	s4 =	sadd.s32 s1, s31;
	v27, _, _ =	vpop (xrf0)  }
0x98: {  	[dreg:$0xd] =	wrdreg s2;
	v28 =	vadd.s32 s4, v25;
	s2 =	spop (v2sf);
	(v2sf) =	vpush v26, $0xF;
	v29, _, _ =	vpop (xrf0)  }
0x99: {  	vm6 =	vgt.s32 v28, $0x7FF;
	s1 =	spop (v2sf);
	(v2sf) =	vpush v27, $0xF;
	v30, _, _ =	vpop (xrf0)  }
0x9a: {  	v31 =	vmpcnt.ones.xlane vm6;
	s24 =	spop (v2sf);
	(v2sf) =	vpush v29, $0xF;
	v32, _, _ =	vpop (xrf0)  }
0x9b: {  	v33 =	vmctz.xlane vm6;
	s5 =	sxor.u32 $0x80000000, s1;
	s6 =	spop (v2sf);
	(v2sf) =	vpush v30, $0xF;
	v34, _, _ =	vpop (xrf0)  }
0x9c: {  	s3 =	sadd.s32 $0xFFFFFFF0, s3;
	v20 =	vmov s5;
	v18 =	vxor.u32 $0x80000000, v31;
	(v2sf) =	vpush v32, $0xF;
	s0 =	spop (v2sf);
	v35, _, _ =	vpop (xrf0)  }
0x9d: {  	v36 =	vld [tilespmem:s3+$0x0];
	v19 =	vxor.u32 $0x80000000, v33;
	vm7 =	veq.s32 v20, v0;
	(xrf0) =	vmax.scan.msk.u32 $0xffff, v18;
	s4 =	sadd.s32 s4, s0;
	(v2sf) =	vpush v35, $0xF  }
0x9e: {  	v37 =	vnsel vm7, $0x0, v9;
	(xrf0) =	vmax.scan.msk.u32 $0xffff, v19;
	v38 =	vadd.s32 s4, v34  }
0x9f: {  	v39 =	vnsel vm7, $0x0, v8;
	v8 =	vperm.xlane v60, v4;
	(xrf0) =	vmax.scan.msk.u32 $0xffff, v37;
	s30 =	spop (v2sf);
	vm8 =	vgt.s32 v38, $0x7FF  }
0xa0: {  	(xrf0) =	vmax.scan.msk.u32 $0xffff, v39;
	s26 =	spop (v2sf);
	v40 =	vmpcnt.ones.xlane vm8  }
0xa1: {  	(xrf0) =	vadd.scan.msk.s32 $0xffff, v8;
	v41 =	vmctz.xlane vm8;
	s8 =	sxor.u32 $0x80000000, s26  }
0xa2: {  	(xrf0) =	vadd.scan.msk.s32 $0xffff, v36;
	v42 =	vmov s8;
	v15 =	vxor.u32 $0x80000000, v40  }
0xa3: {  	v43, _, _ =	vpop (xrf0);
	v16 =	vxor.u32 $0x80000000, v41;
	vm9 =	veq.s32 v42, v0;
	(xrf0) =	vmax.scan.msk.u32 $0xffff, v15  }
0xa4: {  	v44, _, _ =	vpop (xrf0);
	v12 =	vnsel vm9, $0x0, v12;
	(xrf0) =	vmax.scan.msk.u32 $0xffff, v16  }
0xa5: {  	s8 =	spop (v2sf);
	v45, _, _ =	vpop (xrf0);
	v17 =	vnsel vm9, $0x0, v7;
	v7 =	vperm.xlane v36, v4;
	(xrf0) =	vmax.scan.msk.u32 $0xffff, v12  }
0xa6: {  	s5 =	spop (v2sf);
	v46, _, _ =	vpop (xrf0);
	(xrf0) =	vmax.scan.msk.u32 $0xffff, v17  }
0xa7: {  	s10 =	spop (v2sf);
	v47, _, _ =	vpop (xrf0);
	(xrf0) =	vadd.scan.msk.s32 $0xffff, v7  }
0xa8: {  	(v2sf) =	vpush v43, $0xF;
	v48, _, _ =	vpop (xrf0);
	s3 =	spop (v2sf)  }
0xa9: {  	(v2sf) =	vpush v44, $0xF;
	s4 =	sadd.s32 s4, s10;
	s28 =	spop (v2sf);
	v49, _, _ =	vpop (xrf0)  }
0xaa: {  	(v2sf) =	vpush v45, $0xF;
	v12 =	vadd.s32 s4, v47;
	s29 =	spop (v2sf);
	v50, _, _ =	vpop (xrf0)  }
0xab: {  	vm10 =	vgt.s32 v12, $0x7FF;
	(v2sf) =	vpush v46, $0xF;
	s31 =	spop (v2sf);
	v51, _, _ =	vpop (xrf0)  }
0xac: {  	v52 =	vmpcnt.ones.xlane vm10;
	(v2sf) =	vpush v48, $0xF;
	v53, _, _ =	vpop (xrf0);
	s0 =	spop (v2sf)  }
0xad: {  	v14 =	vxor.u32 $0x80000000, v14;
	s10 =	sxor.u32 $0x80000000, s28;
	v22 =	vmctz.xlane vm10;
	s0 =	sadd.s32 s4, s0;
	v54, _, _ =	vpop (xrf0)  }
0xae: {  	v21 =	vmov s10;
	v17 =	vxor.u32 $0x80000000, v52;
	v15 =	vadd.s32 s0, v54  }
0xaf: {  	vm11 =	veq.s32 v21, v0;
	v55 =	vxor.u32 $0x80000000, v22;
	(xrf0) =	vmax.scan.msk.u32 $0xffff, v17;
	vm1 =	vgt.s32 v15, $0x7FF  }
0xb0: {  	v14 =	vnsel vm11, $0x0, v14;
	(xrf0) =	vmax.scan.msk.u32 $0xffff, v55;
	v56 =	vmpcnt.ones.xlane vm1  }
0xb1: {  	v6 =	vnsel vm11, $0x0, v6;
	(xrf0) =	vmax.scan.msk.u32 $0xffff, v14;
	v57 =	vmctz.xlane vm1  }
0xb2: {  	(v2sf) =	vpush v49, $0xF;
	(xrf0) =	vmax.scan.msk.u32 $0xffff, v6;
	v6 =	vxor.u32 $0x80000000, v56  }
0xb3: {  	(v2sf) =	vpush v50, $0xF;
	v14 =	vxor.u32 $0x80000000, v57;
	(xrf0) =	vmax.scan.msk.u32 $0xffff, v6  }
0xb4: {  	p5 =	seq.s32 s13, $0x0;
	s12 =	smov.u32 @p2 s22;
	(v2sf) =	vpush v51, $0xF;
	(xrf0) =	vmax.scan.msk.u32 $0xffff, v14  }
0xb5: {  	p1 =	por p1, p1;
	p0 =	por p0, p0;
	s10 =	rddreg [dreg:$0xd];
	(v2sf) =	vpush v53, $0xF;
	v6, _, _ =	vpop (xrf0)  }
0xb6: {  	p3 =	por p3, p3;
	p0 =	por p0, p0;
	p4 =	sgt.u32 s10, $0x80000000;
	(v2sf) =	vpush v6, $0xF;
	v6, _, _ =	vpop (xrf0)  }
0xb7: {  	s0 =	ssub.s32 s21, s23;
	s21 =	sxor.u32 $0x80000000, s7;
	s7 =	spop (v2sf);
	(v2sf) =	vpush v6, $0xF;
	v6, _, _ =	vpop (xrf0)  }
0xb8: {  	p3 =	por p3, p3;
	p4 =	por !p5, !p4;
	s4 =	spop (v2sf);
	(v2sf) =	vpush v6, $0xF;
	v6, _, _ =	vpop (xrf0)  }
0xb9: {  	s22 =	sxor.u32 $0x80000000, s25;
	p2 =	por !p4, !p4;
	s10 =	spop (v2sf);
	(v2sf) =	vpush v6, $0xF;
	v6, _, _ =	vpop (xrf0)  }
0xba: {  	s11 =	smov.u32 @p2 s0;
	s0 =	ssub.s32 s21, s22;
	s21 =	spop (v2sf);
	(v2sf) =	vpush v6, $0xF;
	v6, _, _ =	vpop (xrf0)  }
0xbb: {  	p3 =	por p3, p3;
	s25 =	sxor.u32 $0x80000000, s6;
	s23 =	spop (v2sf);
	(v2sf) =	vpush v6, $0xF  }
0xbc: {  	s5 =	sxor.u32 $0x80000000, s5;
	s18 =	ssub.s32 s18, s28;
	s13 =	simm.s32 @p2 $0x1  }
0xbd: {  	p5 =	sgt.u32 s2, $0x80000000;
	p6 =	seq.s32 s13, $0x0;
	p2 =	por p2, p2  }
0xbe: {  	s12 =	smov.u32 @p1 s0;
	s0 =	ssub.s32 s20, s1;
	p1 =	por !p6, !p5  }
0xbf: {  	s1 =	sxor.u32 $0x80000000, s24;
	p6 =	sgt.u32 s30, $0x80000000;
	p2 =	por p2, p2  }
0xc0: {  	s30 =	sxor.u32 $0x80000000, s8;
	p1 =	por !p1, !p1;
	s1 =	ssub.s32 s1, s25  }
0xc1: {  	s25 =	sxor.u32 $0x80000000, s29;
	s13 =	simm.s32 @p1 $0x1;
	s22 =	spop (v2sf)  }
0xc2: {  	s11 =	smov.u32 @p1 s0;
	s12 =	smov.u32 @p0 s1;
	s2 =	spop (v2sf)  }
0xc3: {  	s1 =	ssub.s32 s19, s26;
	s0 =	ssub.s32 s30, s5;
	s6 =	spop (v2sf)  }
0xc4: {  	s26 =	sxor.u32 $0x80000000, s31;
	s20 =	sxor.u32 $0x80000000, s4;
	s19 =	spop (v2sf)  }
0xc5: {  	p4 =	por p1, p1;
	p5 =	seq.s32 s13, $0x0;
	v6 =	vmov s20;
	s5 =	spop (v2sf)  }
0xc6: {  	v13 =	vxor.u32 $0x80000000, v28;
	s12 =	smov.u32 @p3 s0;
	vm12 =	veq.s32 v6, v0;
	s23 =	sxor.u32 $0x80000000, s2;
	s0 =	spop (v2sf)  }
0xc7: {  	p3 =	por p2, p2;
	p0 =	por !p5, !p6;
	v6 =	vxor.u32 $0x80000000, v10;
	v58 =	vnsel vm12, $0x0, v13;
	v59 =	vmov s23;
	s8 =	spop (v2sf)  }
0xc8: {  	v9 =	vxor.u32 $0x80000000, v38;
	p6 =	sgt.u32 s3, $0x80000000;
	p0 =	por !p0, !p0;
	v6 =	vnsel vm12, $0x0, v6;
	(xrf0) =	vmax.scan.msk.u32 $0xffff, v58;
	vm13 =	veq.s32 v59, v0;
	s20 =	spop (v2sf)  }
0xc9: {  	s13 =	simm.s32 @p0 $0x1;
	(xrf0) =	vmax.scan.msk.u32 $0xffff, v6;
	v9 =	vnsel vm13, $0x0, v9;
	s24 =	sxor.u32 $0x80000000, s0;
	s3 =	spop (v2sf)  }
0xca: {  	s4 =	ssub.s32 s14, s4;
	p5 =	seq.s32 s13, $0x0;
	v6 =	vxor.u32 $0x80000000, v63;
	(xrf0) =	vmax.scan.msk.u32 $0xffff, v9;
	v60 =	vmov s24;
	s28 =	spop (v2sf)  }
0xcb: {  	v61 =	vxor.u32 $0x80000000, v12;
	s30 =	sxor.u32 $0x80000000, s10;
	p6 =	por !p5, !p6;
	v6 =	vnsel vm13, $0x0, v6;
	vm14 =	veq.s32 v60, v0;
	s29 =	sxor.u32 $0x80000000, s28  }
0xcc: {  	v8 =	vxor.u32 $0x80000000, v8;
	s11 =	smov.u32 @p0 s1;
	p0 =	por p0, p0;
	p2 =	por !p6, !p6;
	(xrf0) =	vmax.scan.msk.u32 $0xffff, v6;
	v9 =	vnsel vm14, $0x0, v61;
	v6 =	vmov s29  }
0xcd: {  	v62 =	vxor.u32 $0x80000000, v15;
	p0 =	por p0, p0;
	p5 =	sgt.u32 s7, $0x80000000;
	s13 =	simm.s32 @p2 $0x1;
	v8 =	vnsel vm14, $0x0, v8;
	(xrf0) =	vmax.scan.msk.u32 $0xffff, v9;
	vm15 =	veq.s32 v6, v0  }
0xce: {  	s31 =	sxor.u32 $0x80000000, s21;
	s11 =	smov.u32 @p2 s18;
	p6 =	seq.s32 s13, $0x0;
	v63, _, _ =	vpop (xrf0);
	(xrf0) =	vmax.scan.msk.u32 $0xffff, v8;
	v6 =	vxor.u32 $0x80000000, v7;
	v8 =	vnsel vm15, $0x0, v62  }
0xcf: {  	s7 =	ssub.s32 s30, s31;
	p2 =	por p2, p2;
	p1 =	por !p6, !p5;
	(v2sf) =	vpush v63, $0xF;
	v7, _, _ =	vpop (xrf0);
	v6 =	vnsel vm15, $0x0, v6;
	(xrf0) =	vmax.scan.msk.u32 $0xffff, v8  }
0xd0: {  	p5 =	sgt.u32 s22, $0x80000000;
	s2 =	ssub.s32 s15, s2;
	s23 =	ssub.s32 s25, s26;
	(v2sf) =	vpush v7, $0xF;
	v7, _, _ =	vpop (xrf0);
	(xrf0) =	vmax.scan.msk.u32 $0xffff, v6  }
0xd1: {  	s12 =	smov.u32 @p3 s23;
	p3 =	por p4, p4;
	p4 =	por !p1, !p1  }
0xd2: {  	s14 =	sxor.u32 $0x80000000, s6;
	s18 =	sxor.u32 $0x80000000, s19;
	s13 =	simm.s32 @p4 $0x1;
	(v2sf) =	vpush v7, $0xF;
	v6, _, _ =	vpop (xrf0)  }
0xd3: {  	p3 =	por p3, p3;
	s11 =	smov.u32 @p4 s4;
	p6 =	seq.s32 s13, $0x0;
	(v2sf) =	vpush v6, $0xF;
	v6, _, _ =	vpop (xrf0)  }
0xd4: {  	s12 =	smov.u32 @p3 s7;
	p3 =	por p0, p0;
	p1 =	por !p6, !p5;
	(v2sf) =	vpush v6, $0xF;
	v6, _, _ =	vpop (xrf0)  }
0xd5: {  	p5 =	por p2, p2;
	p2 =	por p4, p4;
	p0 =	por !p1, !p1;
	(v2sf) =	vpush v6, $0xF;
	v6, _, _ =	vpop (xrf0)  }
0xd6: {  	p5 =	por p5, p5;
	s13 =	simm.s32 @p0 $0x1;
	s11 =	smov.u32 @p0 s2;
	(v2sf) =	vpush v6, $0xF;
	v6, _, _ =	vpop (xrf0)  }
0xd7: {  	s2 =	ssub.s32 s14, s18;
	p4 =	seq.s32 s13, $0x0;
	p6 =	sgt.u32 s5, $0x80000000;
	(v2sf) =	vpush v6, $0xF  }
0xd8: {  	p2 =	por p2, p2;
	s12 =	smov.u32 @p3 s2;
	p3 =	por !p4, !p6  }
0xd9: {  	s0 =	ssub.s32 s17, s0;
	p4 =	por p0, p0;
	p0 =	por p2, p2  }
0xda: {  	[tilespmem:$0x2000] =	vst v1;
	p1 =	por !p3, !p3;
	s19 =	sxor.u32 $0x80000000, s8;
	p3 =	por p4, p4  }
0xdb: {  	[tilespmem:$0x2010] =	vst v1;
	s20 =	sxor.u32 $0x80000000, s20;
	s13 =	simm.s32 @p1 $0x1;
	s11 =	smov.u32 @p1 s0  }
0xdc: {  	[tilespmem:$0x2020] =	vst v1;
	s2 =	ssub.s32 s19, s20;
	p6 =	seq.s32 s13, $0x0;
	p2 =	sgt.u32 s3, $0x80000000  }
0xdd: {  	[tilespmem:$0x2030] =	vst v1;
	s12 =	smov.u32 @p5 s2;
	p4 =	por !p6, !p2;
	p5 =	por p1, p1  }
0xde: {  	[tilespmem:$0x2040] =	vst v1;
	s1 =	ssub.s32 s16, s28;
	p1 =	por !p4, !p4;
	p6 =	por p5, p5  }
0xdf: {  	[tilespmem:$0x2050] =	vst v1;
	s11 =	smov.u32 @p1 s1;
	p1 =	por p1, p1;
	s21 =	spop (v2sf)  }
0xe0: {  	[tilespmem:$0x2060] =	vst v1;
	p1 =	por p1, p1;
	s31 =	sand.u32 $0xFF, s11;
	s22 =	spop (v2sf)  }
0xe1: {  	[tilespmem:$0x2070] =	vst v1;
	s0 =	sxor.u32 $0x80000000, s21;
	s2 =	sxor.u32 $0x80000000, s22;
	s23 =	spop (v2sf)  }
0xe2: {  	[tilespmem:$0x2080] =	vst v1;
	s0 =	ssub.s32 s0, s2;
	s1 =	sxor.u32 $0x80000000, s23;
	s24 =	spop (v2sf)  }
0xe3: {  	[tilespmem:$0x2090] =	vst v1;
	s12 =	smov.u32 @p0 s0;
	s0 =	sxor.u32 $0x80000000, s24;
	s25 =	spop (v2sf)  }
0xe4: {  	[tilespmem:$0x20A0] =	vst v1;
	p0 =	por p3, p3;
	s0 =	ssub.s32 s1, s0;
	s26 =	spop (v2sf)  }
0xe5: {  	[tilespmem:$0x20B0] =	vst v1;
	s1 =	sxor.u32 $0x80000000, s25;
	s12 =	smov.u32 @p0 s0;
	s28 =	spop (v2sf)  }
0xe6: {  	[tilespmem:$0x20C0] =	vst v1;
	p0 =	por p6, p6;
	s0 =	sxor.u32 $0x80000000, s26;
	s29 =	spop (v2sf)  }
0xe7: {  	[tilespmem:$0x20D0] =	vst v1;
	s0 =	ssub.s32 s1, s0;
	s30 =	sxor.u32 $0x80000000, s28;
	s1 =	sxor.u32 $0x80000000, s29  }
0xe8: {  	[tilespmem:$0x20E0] =	vst v1;
	s12 =	smov.u32 @p0 s0;
	p0 =	por p1, p1;
	s0 =	ssub.s32 s30, s1  }
0xe9: {  	[tilespmem:$0x20F0] =	vst v1;
	v6 =	vmov s31;
	s1 =	simm.s32 $0x0;
	s12 =	smov.u32 @p0 s0;
	s0 =	simm.s32 $0x40  }
.LBB2_7:
0xea: {  	p0 =	seq.s32 s0, $0x3FC0;
	v7 =	vld [tilespmem:s1+$0x1000];
	_ =	sdelay $0x4  }
0xeb: {  	v8 =	vshrl.u32 v7, $0x18  }
0xec: {  	v7 =	vshrl.u32 v7, $0x10;
	vm0 =	veq.s32 v8, v6  }
0xed: {  	v7 =	vand.u32 $0xFF, v7  }
.Ltmp3:
0xee: {  	(pc) =	sbr.rel @!p0 .LBB2_7-.Ltmp3, $2  }
0xef: {  	_ =	sdelay $0x2  }
0xf0: {  	s1 =	sshra.s32 s0, $0x2;
	s0 =	sadd.s32 $0x40, s0;
	[tilespmem:v7+s9+$0x0] =	vst.idx.add.s32.msk vm0, v3  }
0xf1: {  	v7 =	vld [tilespmem:s1+$0x1000];
	_ =	sdelay $0x4  }
0xf2: {  	v8 =	vshrl.u32 v7, $0x18  }
0xf3: {  	v7 =	vshrl.u32 v7, $0x10;
	vm0 =	veq.s32 v8, v6  }
0xf4: {  	v6 =	vand.u32 $0xFF, v7;
	_ =	sdelay $0x4  }
0xf5: {  	s18 =	simm.s32 $0x20F0;
	[tilespmem:v6+s9+$0x0] =	vst.idx.add.s32.msk vm0, v3  }
0xf6: {  	v7 =	vld [tilespmem:s18+$0x0];
	_ =	sdelay $0x4  }
0xf7: {  	(xrf0) =	vadd.scan.msk.s32 $0xffff, v7;
	_ =	sdelay $0x1  }
0xf8: {  	s19 =	simm.s32 $0x20E0  }
0xf9: {  	v8 =	vld [tilespmem:s19+$0x0]  }
0xfa: {  	v10 =	vperm.xlane v7, v4;
	_ =	sdelay $0x1  }
0xfb: {  	(xrf0) =	vadd.scan.msk.s32 $0xffff, v10;
	v7, _, _ =	vpop (xrf0)  }
0xfc: {  	(v2sf) =	vpush v7, $0xF  }
0xfd: {  	(xrf0) =	vadd.scan.msk.s32 $0xffff, v8;
	_ =	sdelay $0x1  }
0xfe: {  	s20 =	simm.s32 $0x20D0  }
0xff: {  	v7 =	vld [tilespmem:s20+$0x0]  }
0x100: {  	s0 =	ssub.s32 $0x800, s12;
	s13 =	simm.s32 $0x0;
	v11, _, _ =	vpop (xrf0)  }
0x101: {  	v6 =	vmov s0;
	v9 =	vperm.xlane v8, v4;
	v11 =	vadd.s32 s13, v11  }
0x102: {  	v8, _, _ =	vpop (xrf0);
	vm0 =	vge.s32 v11, v6  }
0x103: {  	(xrf0) =	vadd.scan.msk.s32 $0xffff, v9;
	(v2sf) =	vpush v8, $0xF;
	v8 =	vmpcnt.ones.xlane vm0  }
0x104: {  	v12 =	vmctz.xlane vm0;
	(xrf0) =	vadd.scan.msk.s32 $0xffff, v7  }
0x105: {  	v8 =	vxor.u32 $0x80000000, v8  }
0x106: {  	v12 =	vxor.u32 $0x80000000, v12;
	(xrf0) =	vmax.scan.msk.u32 $0xffff, v8  }
0x107: {  	(xrf0) =	vmax.scan.msk.u32 $0xffff, v12  }
0x108: {  	s21 =	simm.s32 $0x20C0  }
0x109: {  	v12 =	vld [tilespmem:s21+$0x0];
	v8, _, _ =	vpop (xrf0)  }
0x10a: {  	v13, _, _ =	vpop (xrf0);
	s22 =	spop (v2sf)  }
0x10b: {  	[dreg:$0x7] =	wrdreg s0;
	v7 =	vperm.xlane v7, v4;
	(v2sf) =	vpush v13, $0xF;
	s0 =	sadd.s32 $0x0, s22  }
0x10c: {  	v13 =	vadd.s32 s0, v8;
	v8, _, _ =	vpop (xrf0)  }
0x10d: {  	(xrf0) =	vadd.scan.msk.s32 $0xffff, v7;
	vm0 =	vge.s32 v13, v6;
	(v2sf) =	vpush v8, $0xF;
	v8, _, _ =	vpop (xrf0)  }
0x10e: {  	(xrf0) =	vadd.scan.msk.s32 $0xffff, v12;
	v14 =	vmpcnt.ones.xlane vm0;
	(v2sf) =	vpush v8, $0xF;
	_ =	sdelay $0x1  }
0x10f: {  	s23 =	simm.s32 $0x20B0;
	v8 =	vmctz.xlane vm0;
	v14 =	vxor.u32 $0x80000000, v14  }
0x110: {  	v15 =	vld [tilespmem:s23+$0x0]  }
0x111: {  	s24 =	spop (v2sf);
	v8 =	vxor.u32 $0x80000000, v8;
	(xrf0) =	vmax.scan.msk.u32 $0xffff, v14  }
0x112: {  	s0 =	sadd.s32 s0, s24;
	(xrf0) =	vmax.scan.msk.u32 $0xffff, v8;
	v8 =	vperm.xlane v12, v4;
	v14, _, _ =	vpop (xrf0)  }
0x113: {  	v12 =	vadd.s32 s0, v14;
	v14, _, _ =	vpop (xrf0)  }
0x114: {  	(xrf0) =	vadd.scan.msk.s32 $0xffff, v8;
	vm0 =	vge.s32 v12, v6;
	(v2sf) =	vpush v14, $0xF  }
0x115: {  	(xrf0) =	vadd.scan.msk.s32 $0xffff, v15;
	v14 =	vmpcnt.ones.xlane vm0;
	v16 =	vmctz.xlane vm0;
	_ =	sdelay $0x1  }
0x116: {  	v17, _, _ =	vpop (xrf0);
	v14 =	vxor.u32 $0x80000000, v14;
	v16 =	vxor.u32 $0x80000000, v16  }
0x117: {  	s25 =	simm.s32 $0x20A0;
	(v2sf) =	vpush v17, $0xF;
	v17, _, _ =	vpop (xrf0);
	(xrf0) =	vmax.scan.msk.u32 $0xffff, v14  }
0x118: {  	s26 =	spop (v2sf);
	(v2sf) =	vpush v17, $0xF;
	v14 =	vld [tilespmem:s25+$0x0];
	(xrf0) =	vmax.scan.msk.u32 $0xffff, v16  }
0x119: {  	s0 =	sadd.s32 s0, s26;
	v16, _, _ =	vpop (xrf0)  }
0x11a: {  	v17 =	vperm.xlane v15, v4;
	v15, _, _ =	vpop (xrf0);
	v16 =	vadd.s32 s0, v16;
	s28 =	spop (v2sf)  }
0x11b: {  	(v2sf) =	vpush v15, $0xF;
	vm0 =	vge.s32 v16, v6;
	s2 =	spop (v2sf)  }
0x11c: {  	(xrf0) =	vadd.scan.msk.s32 $0xffff, v17;
	v15 =	vmpcnt.ones.xlane vm0;
	s3 =	sxor.u32 $0x80000000, s2  }
0x11d: {  	v11 =	vxor.u32 $0x80000000, v11;
	v18 =	vmctz.xlane vm0;
	(xrf0) =	vadd.scan.msk.s32 $0xffff, v14;
	v19, _, _ =	vpop (xrf0);
	v20 =	vmov s3  }
0x11e: {  	(v2sf) =	vpush v19, $0xF;
	v19, _, _ =	vpop (xrf0);
	v15 =	vxor.u32 $0x80000000, v15;
	vm0 =	veq.s32 v20, v0  }
0x11f: {  	v18 =	vxor.u32 $0x80000000, v18;
	(v2sf) =	vpush v19, $0xF;
	(xrf0) =	vmax.scan.msk.u32 $0xffff, v15;
	v11 =	vnsel vm0, $0x0, v11  }
0x120: {  	v10 =	vxor.u32 $0x80000000, v10;
	(xrf0) =	vmax.scan.msk.u32 $0xffff, v18  }
0x121: {  	v10 =	vnsel vm0, $0x0, v10;
	(xrf0) =	vmax.scan.msk.u32 $0xffff, v11  }
0x122: {  	v11, _, _ =	vpop (xrf0);
	(xrf0) =	vmax.scan.msk.u32 $0xffff, v10;
	s4 =	spop (v2sf)  }
0x123: {  	s29 =	simm.s32 $0x2090;
	v10 =	vperm.xlane v14, v4;
	v14, _, _ =	vpop (xrf0);
	s0 =	sadd.s32 s0, s4  }
0x124: {  	v15 =	vld [tilespmem:s29+$0x0];
	(v2sf) =	vpush v14, $0xF;
	v14 =	vadd.s32 s0, v11  }
0x125: {  	(xrf0) =	vadd.scan.msk.s32 $0xffff, v10;
	v11, _, _ =	vpop (xrf0);
	vm0 =	vge.s32 v14, v6  }
0x126: {  	s30 =	spop (v2sf);
	(v2sf) =	vpush v11, $0xF;
	v11, _, _ =	vpop (xrf0);
	v18 =	vmpcnt.ones.xlane vm0  }
0x127: {  	s31 =	spop (v2sf);
	(v2sf) =	vpush v11, $0xF;
	v11, _, _ =	vpop (xrf0)  }
0x128: {  	v19 =	vmctz.xlane vm0;
	s5 =	sxor.u32 $0x80000000, s31;
	(v2sf) =	vpush v11, $0xF;
	v11, _, _ =	vpop (xrf0);
	v18 =	vxor.u32 $0x80000000, v18  }
0x129: {  	p0 =	por $0x1, $0x1;
	s17 =	simm.s32 $0x8000007F;
	(xrf0) =	vadd.scan.msk.s32 $0xffff, v15;
	v20 =	vmov s5;
	(v2sf) =	vpush v11, $0xF  }
0x12a: {  	s15 =	simm.s32 $0x0;
	s6 =	simm.s32 $0x2080;
	v11 =	vxor.u32 $0x80000000, v13;
	v13 =	vxor.u32 $0x80000000, v19;
	(xrf0) =	vmax.scan.msk.u32 $0xffff, v18;
	vm0 =	veq.s32 v20, v0;
	s5 =	spop (v2sf)  }
0x12b: {  	s16 =	simm.s32 $0x8000006F;
	s23 =	simm.s32 $0x800000BF;
	v9 =	vxor.u32 $0x80000000, v9;
	(xrf0) =	vmax.scan.msk.u32 $0xffff, v13;
	v11 =	vnsel vm0, $0x0, v11;
	v13 =	vld [tilespmem:s6+$0x0];
	v18, _, _ =	vpop (xrf0);
	s0 =	sadd.s32 s0, s5  }
0x12c: {  	s14 =	simm.s32 $0x0;
	s18 =	simm.s32 $0x8000005F;
	s19 =	simm.s32 $0x8000004F;
	v9 =	vnsel vm0, $0x0, v9;
	(xrf0) =	vmax.scan.msk.u32 $0xffff, v11;
	v18 =	vadd.s32 s0, v18  }
0x12d: {  	s20 =	simm.s32 $0x8000008F;
	p1 =	sgt.u32 s28, $0x80000000;
	v19 =	vperm.xlane v15, v4;
	(xrf0) =	vmax.scan.msk.u32 $0xffff, v9;
	s7 =	spop (v2sf);
	vm0 =	vge.s32 v18, v6  }
0x12e: {  	s21 =	simm.s32 $0x8000009F;
	p0 =	por !p0, !p1;
	s8 =	spop (v2sf);
	v9 =	vmpcnt.ones.xlane vm0  }
0x12f: {  	s2 =	ssub.s32 $0x800000FF, s2;
	p1 =	por !p0, !p0;
	v20 =	vxor.u32 $0x80000000, v12;
	(xrf0) =	vadd.scan.msk.s32 $0xffff, v19;
	v11, _, _ =	vpop (xrf0);
	v12 =	vmctz.xlane vm0;
	s10 =	sxor.u32 $0x80000000, s8  }
0x130: {  	s22 =	simm.s32 $0x800000AF;
	s15 =	simm.s32 @p1 $0x1;
	s14 =	smov.u32 @p1 s2;
	(v2sf) =	vpush v11, $0xF;
	v21, _, _ =	vpop (xrf0);
	(xrf0) =	vadd.scan.msk.s32 $0xffff, v13;
	v15 =	vmov s10;
	v9 =	vxor.u32 $0x80000000, v9  }
0x131: {  	p1 =	por p1, p1;
	p3 =	seq.s32 s15, $0x0;
	p2 =	sgt.u32 s30, $0x80000000;
	v11 =	vxor.u32 $0x80000000, v8;
	v22, _, _ =	vpop (xrf0);
	v8 =	vxor.u32 $0x80000000, v12;
	(xrf0) =	vmax.scan.msk.u32 $0xffff, v9;
	vm0 =	veq.s32 v15, v0  }
0x132: {  	s25 =	simm.s32 $0x2070;
	p5 =	por p1, p1;
	p0 =	por !p3, !p2;
	v23, _, _ =	vpop (xrf0);
	(xrf0) =	vmax.scan.msk.u32 $0xffff, v8;
	v8 =	vnsel vm0, $0x0, v20  }
0x133: {  	v7 =	vxor.u32 $0x80000000, v7;
	s1 =	ssub.s32 $0x800000EF, s31;
	p2 =	por p5, p5;
	p0 =	por !p0, !p0;
	v12 =	vxor.u32 $0x80000000, v17;
	(v2sf) =	vpush v21, $0xF;
	v17, _, _ =	vpop (xrf0);
	(xrf0) =	vmax.scan.msk.u32 $0xffff, v8  }
0x134: {  	s15 =	simm.s32 @p0 $0x1;
	s14 =	smov.u32 @p0 s1;
	v15 =	vxor.u32 $0x80000000, v16;
	v9 =	vxor.u32 $0x80000000, v10;
	(v2sf) =	vpush v22, $0xF;
	s12 =	spop (v2sf)  }
0x135: {  	p4 =	seq.s32 s15, $0x0;
	p3 =	sgt.u32 s7, $0x80000000;
	v10 =	vxor.u32 $0x80000000, v18;
	v7 =	vnsel vm0, $0x0, v7;
	v18, _, _ =	vpop (xrf0);
	(v2sf) =	vpush v23, $0xF;
	s26 =	sadd.s32 s0, s12  }
0x136: {  	p0 =	por p0, p0;
	p3 =	por !p4, !p3;
	(xrf0) =	vmax.scan.msk.u32 $0xffff, v7;
	v7 =	vadd.s32 s26, v18;
	s24 =	spop (v2sf);
	(v2sf) =	vpush v17, $0xF;
	v17 =	vperm.xlane v13, v4;
	v13, _, _ =	vpop (xrf0)  }
0x137: {  	p0 =	por p0, p0;
	p1 =	por !p3, !p3;
	v16 =	vld [tilespmem:s25+$0x0];
	v8 =	vxor.u32 $0x80000000, v19;
	vm0 =	vge.s32 v7, v6;
	s28 =	spop (v2sf);
	(v2sf) =	vpush v13, $0xF;
	v19, _, _ =	vpop (xrf0)  }
0x138: {  	s1 =	ssub.s32 $0x800000DF, s8;
	s15 =	simm.s32 @p1 $0x1;
	v18 =	vmpcnt.ones.xlane vm0;
	s30 =	spop (v2sf);
	(v2sf) =	vpush v19, $0xF;
	v19, _, _ =	vpop (xrf0)  }
0x139: {  	s14 =	smov.u32 @p1 s1;
	p1 =	por p1, p1;
	s31 =	spop (v2sf);
	(v2sf) =	vpush v19, $0xF;
	v19, _, _ =	vpop (xrf0)  }
0x13a: {  	p6 =	seq.s32 s15, $0x0;
	s0 =	simm.s32 $0x8000003F;
	p4 =	sgt.u32 s24, $0x80000000;
	v18 =	vxor.u32 $0x80000000, v18;
	(v2sf) =	vpush v19, $0xF  }
0x13b: {  	v13 =	vxor.u32 $0x80000000, v7;
	s29 =	sxor.u32 $0x80000000, s28;
	p3 =	por !p6, !p4;
	v7 =	vxor.u32 $0x80000000, v17;
	(xrf0) =	vadd.scan.msk.s32 $0xffff, v17;
	v17 =	vmctz.xlane vm0;
	s1 =	ssub.s32 $0x800000CF, s28  }
0x13c: {  	p3 =	por !p3, !p3;
	s2 =	sxor.u32 $0x80000000, s30;
	(xrf0) =	vadd.scan.msk.s32 $0xffff, v16;
	v20 =	vmov s29;
	s3 =	sxor.u32 $0x80000000, s31  }
0x13d: {  	v14 =	vxor.u32 $0x80000000, v14;
	s15 =	simm.s32 @p3 $0x1;
	v17 =	vxor.u32 $0x80000000, v17;
	vm0 =	veq.s32 v20, v0;
	s14 =	smov.u32 @p3 s1;
	(xrf0) =	vmax.scan.msk.u32 $0xffff, v18;
	s24 =	ssub.s32 s2, s3;
	v18, _, _ =	vpop (xrf0)  }
.LBB2_9:
0x13e: {  	p4 =	sne.s32 s0, $0x8000000F  }
0x13f: {  	s25 =	sadd.s32 $0xFFFFFFF0, s25;
	s13 =	smov.u32 @p2 s24;
	s1 =	smov.u32 s23  }
0x140: {  	(xrf0) =	vmax.scan.msk.u32 $0xffff, v17;
	v17 =	vnsel vm0, $0x0, v15;
	v19 =	vnsel vm0, $0x0, v11;
	(v2sf) =	vpush v18, $0xF;
	v15 =	vmovc v14;
	s23 =	smov.u32 s22;
	s22 =	smov.u32 s21;
	p2 =	por p0, p0  }
0x141: {  	v14 =	vmovc v10;
	v10 =	vmovc v13;
	v11 =	vmov v12;
	v12 =	vmov v9;
	v9 =	vmov v8;
	p0 =	por p1, p1;
	p1 =	por p3, p3;
	s21 =	smov.u32 s20  }
0x142: {  	v8 =	vmov v7;
	s20 =	smov.u32 s17;
	s17 =	smov.u32 s16;
	v18 =	vld [tilespmem:s25+$0x0];
	s2 =	spop (v2sf);
	(xrf0) =	vmax.scan.msk.u32 $0xffff, v17  }
0x143: {  	s16 =	smov.u32 s18;
	s18 =	smov.u32 s19;
	v7, _, _ =	vpop (xrf0);
	s26 =	sadd.s32 s26, s2;
	(xrf0) =	vmax.scan.msk.u32 $0xffff, v19  }
0x144: {  	s19 =	smov.u32 s0;
	p3 =	seq.s32 s15, $0x0;
	v19 =	vperm.xlane v16, v4;
	v13, _, _ =	vpop (xrf0);
	v7 =	vadd.s32 s26, v7;
	s2 =	spop (v2sf)  }
.Ltmp4:
0x145: {  	(v2sf) =	vpush v13, $0xF;
	vm0 =	vge.s32 v7, v6;
	v13 =	vxor.u32 $0x80000000, v7;
	p5 =	sgt.u32 s2, $0x80000000;
	s2 =	spop (v2sf);
	(pc) =	sbr.rel @p4 .LBB2_9-.Ltmp4, $4  }
0x146: {  	v7 =	vxor.u32 $0x80000000, v19;
	(xrf0) =	vadd.scan.msk.s32 $0xffff, v19;
	v17 =	vmpcnt.ones.xlane vm0;
	v22 =	vmctz.xlane vm0;
	v16, _, _ =	vpop (xrf0);
	s3 =	sxor.u32 $0x80000000, s2;
	p3 =	por !p3, !p5;
	s4 =	spop (v2sf)  }
0x147: {  	(xrf0) =	vadd.scan.msk.s32 $0xffff, v18;
	(v2sf) =	vpush v16, $0xF;
	v20, _, _ =	vpop (xrf0);
	v21 =	vmov s3;
	p3 =	por !p3, !p3;
	s3 =	sxor.u32 $0x80000000, s4;
	s4 =	spop (v2sf);
	v16 =	vmov v18  }
0x148: {  	s1 =	ssub.s32 s1, s2;
	v23 =	vxor.u32 $0x80000000, v17;
	v17 =	vxor.u32 $0x80000000, v22;
	(v2sf) =	vpush v20, $0xF;
	s15 =	simm.s32 @p3 $0x1;
	v19, _, _ =	vpop (xrf0);
	s2 =	sxor.u32 $0x80000000, s4  }
0x149: {  	s0 =	sadd.s32 $0xFFFFFFF0, s0;
	vm0 =	veq.s32 v21, v0;
	s14 =	smov.u32 @p3 s1;
	(xrf0) =	vmax.scan.msk.u32 $0xffff, v23;
	(v2sf) =	vpush v19, $0xF;
	v18, _, _ =	vpop (xrf0);
	s24 =	ssub.s32 s3, s2  }
0x14a: {  	_ = 	snop  }
0x14b: {  	s0 =	sadd.s32 $0xFFFFFFF0, s25;
	(xrf0) =	vmax.scan.msk.u32 $0xffff, v17;
	s1 =	spop (v2sf)  }
0x14c: {  	v52 =	vnsel vm0, $0x0, v15;
	v19 =	vld [tilespmem:s0+$0x0];
	s1 =	sadd.s32 s26, s1;
	v53, _, _ =	vpop (xrf0)  }
0x14d: {  	v20 =	vnsel vm0, $0x0, v11;
	(v2sf) =	vpush v18, $0xF;
	v54, _, _ =	vpop (xrf0);
	v15 =	vadd.s32 s1, v53  }
0x14e: {  	v11 =	vperm.xlane v16, v4;
	s2 =	spop (v2sf);
	(xrf0) =	vmax.scan.msk.u32 $0xffff, v52;
	(v2sf) =	vpush v54, $0xF;
	vm4 =	vge.s32 v15, v6  }
0x14f: {  	s25 =	spop (v2sf);
	(xrf0) =	vmax.scan.msk.u32 $0xffff, v20;
	v55 =	vmpcnt.ones.xlane vm4  }
0x150: {  	s4 =	sxor.u32 $0x80000000, s25;
	(xrf0) =	vadd.scan.msk.s32 $0xffff, v11;
	v56 =	vmctz.xlane vm4;
	v57, _, _ =	vpop (xrf0)  }
0x151: {  	s3 =	sadd.s32 $0xFFFFFFF0, s0;
	v59 =	vmov s4;
	(xrf0) =	vadd.scan.msk.s32 $0xffff, v19;
	(v2sf) =	vpush v57, $0xF;
	v58, _, _ =	vpop (xrf0);
	v16 =	vxor.u32 $0x80000000, v55  }
0x152: {  	v60 =	vld [tilespmem:s3+$0x0];
	vm5 =	veq.s32 v59, v0;
	v17 =	vxor.u32 $0x80000000, v56;
	(v2sf) =	vpush v58, $0xF;
	(xrf0) =	vmax.scan.msk.u32 $0xffff, v16  }
0x153: {  	v14 =	vnsel vm5, $0x0, v14;
	(xrf0) =	vmax.scan.msk.u32 $0xffff, v17  }
0x154: {  	v62 =	vnsel vm5, $0x0, v12;
	v63 =	vperm.xlane v19, v4;
	v61, _, _ =	vpop (xrf0);
	(xrf0) =	vmax.scan.msk.u32 $0xffff, v14  }
0x155: {  	s6 =	spop (v2sf);
	v26, _, _ =	vpop (xrf0);
	(xrf0) =	vmax.scan.msk.u32 $0xffff, v62  }
0x156: {  	s29 =	spop (v2sf);
	v27, _, _ =	vpop (xrf0);
	(xrf0) =	vadd.scan.msk.s32 $0xffff, v63  }
0x157: {  	(v2sf) =	vpush v61, $0xF;
	s5 =	spop (v2sf);
	v28, _, _ =	vpop (xrf0);
	(xrf0) =	vadd.scan.msk.s32 $0xffff, v60  }
0x158: {  	(v2sf) =	vpush v26, $0xF;
	s4 =	sadd.s32 s1, s5;
	v29, _, _ =	vpop (xrf0)  }
0x159: {  	v30 =	vadd.s32 s4, v27;
	s7 =	spop (v2sf);
	(v2sf) =	vpush v28, $0xF;
	v31, _, _ =	vpop (xrf0)  }
0x15a: {  	[dreg:$0xe] =	wrdreg s2;
	vm6 =	vge.s32 v30, v6;
	s2 =	spop (v2sf);
	(v2sf) =	vpush v29, $0xF;
	v32, _, _ =	vpop (xrf0)  }
0x15b: {  	v33 =	vmpcnt.ones.xlane vm6;
	s26 =	spop (v2sf);
	(v2sf) =	vpush v31, $0xF;
	v34, _, _ =	vpop (xrf0)  }
0x15c: {  	v35 =	vmctz.xlane vm6;
	s5 =	sxor.u32 $0x80000000, s2;
	s31 =	spop (v2sf);
	(v2sf) =	vpush v32, $0xF;
	v36, _, _ =	vpop (xrf0)  }
0x15d: {  	s3 =	sadd.s32 $0xFFFFFFF0, s3;
	v21 =	vmov s5;
	v19 =	vxor.u32 $0x80000000, v33;
	(v2sf) =	vpush v34, $0xF;
	s8 =	spop (v2sf);
	v37, _, _ =	vpop (xrf0)  }
0x15e: {  	v38 =	vld [tilespmem:s3+$0x0];
	[dreg:$0x10] =	wrdreg s7;
	v20 =	vxor.u32 $0x80000000, v35;
	vm7 =	veq.s32 v21, v0;
	(xrf0) =	vmax.scan.msk.u32 $0xffff, v19;
	s7 =	sadd.s32 s4, s8;
	(v2sf) =	vpush v37, $0xF  }
0x15f: {  	v39 =	vnsel vm7, $0x0, v10;
	(xrf0) =	vmax.scan.msk.u32 $0xffff, v20;
	v40 =	vadd.s32 s7, v36  }
0x160: {  	v42 =	vperm.xlane v60, v4;
	v41 =	vnsel vm7, $0x0, v9;
	(xrf0) =	vmax.scan.msk.u32 $0xffff, v39;
	s4 =	spop (v2sf);
	vm8 =	vge.s32 v40, v6  }
0x161: {  	(xrf0) =	vmax.scan.msk.u32 $0xffff, v41;
	s30 =	spop (v2sf);
	v43 =	vmpcnt.ones.xlane vm8  }
0x162: {  	(xrf0) =	vadd.scan.msk.s32 $0xffff, v42;
	v44 =	vmctz.xlane vm8;
	s10 =	sxor.u32 $0x80000000, s30  }
0x163: {  	(xrf0) =	vadd.scan.msk.s32 $0xffff, v38;
	v45 =	vmov s10;
	v16 =	vxor.u32 $0x80000000, v43  }
0x164: {  	v46, _, _ =	vpop (xrf0);
	v17 =	vxor.u32 $0x80000000, v44;
	vm9 =	veq.s32 v45, v0;
	(xrf0) =	vmax.scan.msk.u32 $0xffff, v16  }
0x165: {  	v47, _, _ =	vpop (xrf0);
	v13 =	vnsel vm9, $0x0, v13;
	(xrf0) =	vmax.scan.msk.u32 $0xffff, v17  }
0x166: {  	s8 =	spop (v2sf);
	v48, _, _ =	vpop (xrf0);
	v18 =	vnsel vm9, $0x0, v8;
	v8 =	vperm.xlane v38, v4;
	(xrf0) =	vmax.scan.msk.u32 $0xffff, v13  }
0x167: {  	s10 =	spop (v2sf);
	v49, _, _ =	vpop (xrf0);
	(xrf0) =	vmax.scan.msk.u32 $0xffff, v18  }
0x168: {  	s28 =	spop (v2sf);
	v50, _, _ =	vpop (xrf0);
	(xrf0) =	vadd.scan.msk.s32 $0xffff, v8  }
0x169: {  	v51, _, _ =	vpop (xrf0);
	s5 =	spop (v2sf)  }
0x16a: {  	s12 =	sadd.s32 s7, s28;
	s3 =	spop (v2sf);
	v52, _, _ =	vpop (xrf0)  }
0x16b: {  	v53 =	vadd.s32 s12, v50;
	s28 =	spop (v2sf);
	v22, _, _ =	vpop (xrf0)  }
0x16c: {  	(v2sf) =	vpush v46, $0xF;
	vm10 =	vge.s32 v53, v6;
	s7 =	spop (v2sf);
	v23, _, _ =	vpop (xrf0)  }
0x16d: {  	(v2sf) =	vpush v47, $0xF;
	s0 =	sxor.u32 $0x80000000, s3;
	v55 =	vmpcnt.ones.xlane vm10;
	v54, _, _ =	vpop (xrf0);
	s1 =	spop (v2sf)  }
0x16e: {  	(v2sf) =	vpush v48, $0xF;
	v57 =	vmctz.xlane vm10;
	v24 =	vmov s0;
	s12 =	sadd.s32 s12, s1;
	v56, _, _ =	vpop (xrf0)  }
0x16f: {  	vm11 =	veq.s32 v24, v0;
	v17 =	vxor.u32 $0x80000000, v55;
	v13 =	vadd.s32 s12, v56  }
0x170: {  	v58 =	vxor.u32 $0x80000000, v57;
	(xrf0) =	vmax.scan.msk.u32 $0xffff, v17;
	vm1 =	vge.s32 v13, v6;
	v6 =	vxor.u32 $0x80000000, v15  }
0x171: {  	(xrf0) =	vmax.scan.msk.u32 $0xffff, v58;
	v6 =	vnsel vm11, $0x0, v6  }
0x172: {  	(v2sf) =	vpush v49, $0xF;
	v59 =	vmpcnt.ones.xlane vm1;
	(xrf0) =	vmax.scan.msk.u32 $0xffff, v6;
	v6 =	vmctz.xlane vm1  }
0x173: {  	(v2sf) =	vpush v51, $0xF;
	v7 =	vnsel vm11, $0x0, v7  }
0x174: {  	(v2sf) =	vpush v52, $0xF;
	(xrf0) =	vmax.scan.msk.u32 $0xffff, v7;
	v7 =	vxor.u32 $0x80000000, v59;
	v6 =	vxor.u32 $0x80000000, v6  }
0x175: {  	p5 =	seq.s32 s15, $0x0;
	(v2sf) =	vpush v22, $0xF;
	(xrf0) =	vmax.scan.msk.u32 $0xffff, v7  }
0x176: {  	s13 =	smov.u32 @p2 s24;
	p0 =	por p0, p0;
	p1 =	por p1, p1;
	(v2sf) =	vpush v23, $0xF;
	(xrf0) =	vmax.scan.msk.u32 $0xffff, v6  }
0x177: {  	p2 =	por p3, p3;
	s6 =	sxor.u32 $0x80000000, s6;
	s2 =	ssub.s32 s22, s2;
	(v2sf) =	vpush v54, $0xF;
	v6, _, _ =	vpop (xrf0)  }
0x178: {  	s24 =	sxor.u32 $0x80000000, s26;
	s0 =	ssub.s32 s23, s25;
	s23 =	rddreg [dreg:$0x10];
	(v2sf) =	vpush v6, $0xF;
	v6, _, _ =	vpop (xrf0)  }
0x179: {  	s3 =	ssub.s32 s20, s3;
	s25 =	sxor.u32 $0x80000000, s31;
	s1 =	rddreg [dreg:$0xe];
	(v2sf) =	vpush v6, $0xF;
	v6, _, _ =	vpop (xrf0)  }
0x17a: {  	s20 =	sxor.u32 $0x80000000, s28;
	p6 =	sgt.u32 s23, $0x80000000;
	p4 =	sgt.u32 s1, $0x80000000;
	(v2sf) =	vpush v6, $0xF;
	v6, _, _ =	vpop (xrf0)  }
0x17b: {  	s12 =	sxor.u32 $0x80000000, s29;
	s29 =	sxor.u32 $0x80000000, s8;
	s23 =	spop (v2sf);
	(v2sf) =	vpush v6, $0xF;
	v6, _, _ =	vpop (xrf0)  }
0x17c: {  	s8 =	ssub.s32 s21, s30;
	p4 =	por !p5, !p4;
	s1 =	spop (v2sf);
	(v2sf) =	vpush v6, $0xF;
	v6, _, _ =	vpop (xrf0)  }
0x17d: {  	s30 =	sxor.u32 $0x80000000, s10;
	p4 =	por !p4, !p4;
	s22 =	spop (v2sf);
	(v2sf) =	vpush v6, $0xF  }
0x17e: {  	s14 =	smov.u32 @p4 s0;
	s0 =	ssub.s32 s6, s12;
	s15 =	simm.s32 @p4 $0x1  }
0x17f: {  	p4 =	por p4, p4;
	s13 =	smov.u32 @p0 s0;
	p5 =	seq.s32 s15, $0x0  }
0x180: {  	p0 =	por p1, p1;
	s0 =	ssub.s32 s24, s25;
	s25 =	sxor.u32 $0x80000000, s7  }
0x181: {  	p6 =	por !p5, !p6;
	s13 =	smov.u32 @p0 s0;
	s24 =	spop (v2sf)  }
0x182: {  	p0 =	por p2, p2;
	p5 =	sgt.u32 s4, $0x80000000;
	s26 =	spop (v2sf)  }
0x183: {  	s31 =	sxor.u32 $0x80000000, s1;
	p1 =	por !p6, !p6;
	s21 =	spop (v2sf)  }
0x184: {  	s15 =	simm.s32 @p1 $0x1;
	s14 =	smov.u32 @p1 s2;
	s0 =	spop (v2sf)  }
0x185: {  	s2 =	ssub.s32 s29, s30;
	p3 =	seq.s32 s15, $0x0;
	s4 =	spop (v2sf)  }
0x186: {  	p2 =	por !p3, !p5;
	p5 =	por p0, p0;
	v6 =	vmov s31;
	s6 =	spop (v2sf)  }
0x187: {  	v7 =	vxor.u32 $0x80000000, v30;
	s13 =	smov.u32 @p5 s2;
	p5 =	sgt.u32 s5, $0x80000000;
	vm12 =	veq.s32 v6, v0;
	s5 =	spop (v2sf)  }
0x188: {  	p0 =	por !p2, !p2;
	s10 =	sxor.u32 $0x80000000, s0;
	v6 =	vxor.u32 $0x80000000, v11;
	v7 =	vnsel vm12, $0x0, v7;
	s2 =	spop (v2sf)  }
0x189: {  	s1 =	ssub.s32 s17, s1;
	s14 =	smov.u32 @p0 s8;
	v6 =	vnsel vm12, $0x0, v6;
	(xrf0) =	vmax.scan.msk.u32 $0xffff, v7;
	v7 =	vmov s10;
	s8 =	spop (v2sf)  }
0x18a: {  	v10 =	vxor.u32 $0x80000000, v40;
	p6 =	por p4, p4;
	(xrf0) =	vmax.scan.msk.u32 $0xffff, v6;
	vm13 =	veq.s32 v7, v0;
	s12 =	sxor.u32 $0x80000000, s2;
	s10 =	spop (v2sf)  }
0x18b: {  	s30 =	sxor.u32 $0x80000000, s22;
	s15 =	simm.s32 @p0 $0x1;
	v6 =	vxor.u32 $0x80000000, v63;
	v7 =	vnsel vm13, $0x0, v10;
	v60 =	vmov s12;
	s26 =	spop (v2sf)  }
0x18c: {  	v61 =	vxor.u32 $0x80000000, v53;
	p3 =	por p6, p6;
	p4 =	seq.s32 s15, $0x0;
	v6 =	vnsel vm13, $0x0, v6;
	(xrf0) =	vmax.scan.msk.u32 $0xffff, v7;
	vm14 =	veq.s32 v60, v0;
	s28 =	spop (v2sf)  }
0x18d: {  	p6 =	por p1, p1;
	p2 =	por !p4, !p5;
	v7 =	vxor.u32 $0x80000000, v42;
	(xrf0) =	vmax.scan.msk.u32 $0xffff, v6;
	v6 =	vnsel vm14, $0x0, v61;
	s29 =	sxor.u32 $0x80000000, s28  }
0x18e: {  	p1 =	sgt.u32 s23, $0x80000000;
	p0 =	por p0, p0;
	p2 =	por !p2, !p2;
	v7 =	vnsel vm14, $0x0, v7;
	(xrf0) =	vmax.scan.msk.u32 $0xffff, v6;
	v6 =	vmov s29  }
0x18f: {  	p0 =	por p0, p0;
	p5 =	por p6, p6;
	s15 =	simm.s32 @p2 $0x1;
	v62, _, _ =	vpop (xrf0);
	(xrf0) =	vmax.scan.msk.u32 $0xffff, v7;
	v7 =	vxor.u32 $0x80000000, v13;
	vm15 =	veq.s32 v6, v0  }
0x190: {  	s0 =	ssub.s32 s16, s0;
	s31 =	sxor.u32 $0x80000000, s24;
	p6 =	seq.s32 s15, $0x0;
	v63, _, _ =	vpop (xrf0);
	(v2sf) =	vpush v62, $0xF;
	v7 =	vnsel vm15, $0x0, v7  }
0x191: {  	s14 =	smov.u32 @p2 s3;
	p2 =	por p2, p2;
	p1 =	por !p6, !p1;
	(v2sf) =	vpush v63, $0xF;
	v6 =	vxor.u32 $0x80000000, v8  }
0x192: {  	s4 =	sxor.u32 $0x80000000, s4;
	p2 =	por p2, p2;
	p1 =	por !p1, !p1;
	v8, _, _ =	vpop (xrf0);
	v6 =	vnsel vm15, $0x0, v6;
	(xrf0) =	vmax.scan.msk.u32 $0xffff, v7  }
0x193: {  	s6 =	sxor.u32 $0x80000000, s6;
	p2 =	por p2, p2;
	s15 =	simm.s32 @p1 $0x1;
	v7, _, _ =	vpop (xrf0);
	(xrf0) =	vmax.scan.msk.u32 $0xffff, v6  }
0x194: {  	s14 =	smov.u32 @p1 s1;
	p1 =	por p1, p1;
	s12 =	ssub.s32 s20, s25  }
0x195: {  	p6 =	seq.s32 s15, $0x0;
	s2 =	ssub.s32 s18, s2;
	s13 =	smov.u32 @p3 s12;
	(v2sf) =	vpush v8, $0xF  }
0x196: {  	s12 =	ssub.s32 s30, s31;
	p3 =	por p5, p5;
	p5 =	sgt.u32 s21, $0x80000000;
	(v2sf) =	vpush v7, $0xF;
	v6, _, _ =	vpop (xrf0)  }
0x197: {  	s16 =	sxor.u32 $0x80000000, s10;
	s13 =	smov.u32 @p3 s12;
	p6 =	por !p6, !p5;
	(v2sf) =	vpush v6, $0xF;
	v6, _, _ =	vpop (xrf0)  }
0x198: {  	p3 =	por p0, p0;
	p5 =	sgt.u32 s5, $0x80000000;
	p0 =	por !p6, !p6;
	(v2sf) =	vpush v6, $0xF;
	v6, _, _ =	vpop (xrf0)  }
0x199: {  	s12 =	sxor.u32 $0x80000000, s8;
	p6 =	por p1, p1;
	s15 =	simm.s32 @p0 $0x1;
	(v2sf) =	vpush v6, $0xF;
	v6, _, _ =	vpop (xrf0)  }
0x19a: {  	s14 =	smov.u32 @p0 s0;
	s0 =	ssub.s32 s4, s6;
	p4 =	seq.s32 s15, $0x0;
	(v2sf) =	vpush v6, $0xF  }
0x19b: {  	s29 =	sshll.u32 s11, $0x18;
	s13 =	smov.u32 @p3 s0;
	p3 =	por !p4, !p5  }
0x19c: {  	s0 =	ssub.s32 s12, s16;
	p4 =	por p0, p0;
	p1 =	por !p3, !p3  }
0x19d: {  	[tilespmem:$0x2000] =	vst v1;
	s13 =	smov.u32 @p2 s0;
	p0 =	por p6, p6;
	s15 =	simm.s32 @p1 $0x1  }
0x19e: {  	[tilespmem:$0x2010] =	vst v1;
	p2 =	sgt.u32 s26, $0x80000000;
	p6 =	por p4, p4;
	p5 =	seq.s32 s15, $0x0  }
0x19f: {  	[tilespmem:$0x2020] =	vst v1;
	s14 =	smov.u32 @p1 s2;
	p4 =	por !p5, !p2;
	s17 =	spop (v2sf)  }
0x1a0: {  	[tilespmem:$0x2030] =	vst v1;
	s2 =	ssub.s32 s19, s28;
	p3 =	por !p4, !p4;
	s18 =	spop (v2sf)  }
0x1a1: {  	[tilespmem:$0x2040] =	vst v1;
	s14 =	smov.u32 @p3 s2;
	s0 =	sxor.u32 $0x80000000, s17;
	s1 =	sxor.u32 $0x80000000, s18  }
0x1a2: {  	[tilespmem:$0x2050] =	vst v1;
	p1 =	por p1, p1;
	s30 =	sshll.u32 s14, $0x10;
	s0 =	ssub.s32 s0, s1  }
0x1a3: {  	[tilespmem:$0x2060] =	vst v1;
	p5 =	por p1, p1;
	s2 =	sor.u32 s29, s30;
	s13 =	smov.u32 @p0 s0  }
0x1a4: {  	[tilespmem:$0x2070] =	vst v1;
	p0 =	por p6, p6;
	p6 =	por p3, p3;
	s20 =	spop (v2sf)  }
0x1a5: {  	[tilespmem:$0x2080] =	vst v1;
	[dreg:$0x8] =	wrdreg s2;
	p1 =	por p6, p6;
	s21 =	spop (v2sf)  }
0x1a6: {  	[tilespmem:$0x2090] =	vst v1;
	s1 =	sxor.u32 $0x80000000, s20;
	s22 =	spop (v2sf);
	s0 =	sxor.u32 $0x80000000, s21  }
0x1a7: {  	[tilespmem:$0x20A0] =	vst v1;
	s23 =	spop (v2sf);
	s0 =	ssub.s32 s1, s0;
	s24 =	sxor.u32 $0x80000000, s22  }
0x1a8: {  	[tilespmem:$0x20B0] =	vst v1;
	s25 =	sxor.u32 $0x80000000, s23;
	s13 =	smov.u32 @p0 s0;
	s26 =	spop (v2sf)  }
0x1a9: {  	[tilespmem:$0x20C0] =	vst v1;
	p0 =	por p5, p5;
	s0 =	ssub.s32 s24, s25;
	s28 =	spop (v2sf)  }
0x1aa: {  	[tilespmem:$0x20D0] =	vst v1;
	s13 =	smov.u32 @p0 s0;
	s0 =	sxor.u32 $0x80000000, s26;
	s1 =	sxor.u32 $0x80000000, s28  }
0x1ab: {  	[tilespmem:$0x20E0] =	vst v1;
	s31 =	sshrl.u32 s2, $0x10;
	p0 =	por p1, p1;
	s0 =	ssub.s32 s0, s1  }
0x1ac: {  	[tilespmem:$0x20F0] =	vst v1;
	v6 =	vmov s31;
	s1 =	simm.s32 $0x0;
	s13 =	smov.u32 @p0 s0;
	s0 =	simm.s32 $0x40  }
.LBB2_11:
0x1ad: {  	p0 =	seq.s32 s0, $0x3FC0;
	v7 =	vld [tilespmem:s1+$0x1000];
	_ =	sdelay $0x4  }
0x1ae: {  	v8 =	vshrl.u32 v7, $0x10  }
0x1af: {  	v7 =	vshrl.u32 v7, $0x8;
	vm0 =	veq.s32 v8, v6  }
0x1b0: {  	v7 =	vand.u32 $0xFF, v7  }
.Ltmp5:
0x1b1: {  	(pc) =	sbr.rel @!p0 .LBB2_11-.Ltmp5, $2  }
0x1b2: {  	_ =	sdelay $0x2  }
0x1b3: {  	s1 =	sshra.s32 s0, $0x2;
	s0 =	sadd.s32 $0x40, s0;
	[tilespmem:v7+s9+$0x0] =	vst.idx.add.s32.msk vm0, v3  }
0x1b4: {  	v7 =	vld [tilespmem:s1+$0x1000];
	_ =	sdelay $0x4  }
0x1b5: {  	v8 =	vshrl.u32 v7, $0x10  }
0x1b6: {  	v7 =	vshrl.u32 v7, $0x8;
	vm0 =	veq.s32 v8, v6  }
0x1b7: {  	v6 =	vand.u32 $0xFF, v7;
	_ =	sdelay $0x4  }
0x1b8: {  	s18 =	simm.s32 $0x20F0;
	[tilespmem:v6+s9+$0x0] =	vst.idx.add.s32.msk vm0, v3  }
0x1b9: {  	v7 =	vld [tilespmem:s18+$0x0];
	_ =	sdelay $0x4  }
0x1ba: {  	(xrf0) =	vadd.scan.msk.s32 $0xffff, v7;
	_ =	sdelay $0x1  }
0x1bb: {  	s19 =	simm.s32 $0x20E0  }
0x1bc: {  	v8 =	vld [tilespmem:s19+$0x0]  }
0x1bd: {  	v10 =	vperm.xlane v7, v4;
	_ =	sdelay $0x1  }
0x1be: {  	(xrf0) =	vadd.scan.msk.s32 $0xffff, v10;
	v7, _, _ =	vpop (xrf0)  }
0x1bf: {  	(v2sf) =	vpush v7, $0xF  }
0x1c0: {  	(xrf0) =	vadd.scan.msk.s32 $0xffff, v8;
	_ =	sdelay $0x1  }
0x1c1: {  	s20 =	simm.s32 $0x20D0  }
0x1c2: {  	s0 =	rddreg [dreg:$0x7];
	v7 =	vld [tilespmem:s20+$0x0]  }
0x1c3: {  	s0 =	ssub.s32 s0, s13;
	s13 =	simm.s32 $0x0;
	v11, _, _ =	vpop (xrf0)  }
0x1c4: {  	v6 =	vmov s0;
	v9 =	vperm.xlane v8, v4;
	v11 =	vadd.s32 s13, v11  }
0x1c5: {  	v8, _, _ =	vpop (xrf0);
	vm0 =	vge.s32 v11, v6  }
0x1c6: {  	(xrf0) =	vadd.scan.msk.s32 $0xffff, v9;
	(v2sf) =	vpush v8, $0xF;
	v8 =	vmpcnt.ones.xlane vm0  }
0x1c7: {  	v12 =	vmctz.xlane vm0;
	(xrf0) =	vadd.scan.msk.s32 $0xffff, v7  }
0x1c8: {  	v8 =	vxor.u32 $0x80000000, v8  }
0x1c9: {  	v12 =	vxor.u32 $0x80000000, v12;
	(xrf0) =	vmax.scan.msk.u32 $0xffff, v8  }
0x1ca: {  	(xrf0) =	vmax.scan.msk.u32 $0xffff, v12  }
0x1cb: {  	s21 =	simm.s32 $0x20C0  }
0x1cc: {  	v12 =	vld [tilespmem:s21+$0x0];
	v8, _, _ =	vpop (xrf0)  }
0x1cd: {  	v13, _, _ =	vpop (xrf0);
	s22 =	spop (v2sf)  }
0x1ce: {  	[dreg:$0x9] =	wrdreg s0;
	v7 =	vperm.xlane v7, v4;
	(v2sf) =	vpush v13, $0xF;
	s0 =	sadd.s32 $0x0, s22  }
0x1cf: {  	v13 =	vadd.s32 s0, v8;
	v8, _, _ =	vpop (xrf0)  }
0x1d0: {  	(xrf0) =	vadd.scan.msk.s32 $0xffff, v7;
	vm0 =	vge.s32 v13, v6;
	(v2sf) =	vpush v8, $0xF;
	v8, _, _ =	vpop (xrf0)  }
0x1d1: {  	(xrf0) =	vadd.scan.msk.s32 $0xffff, v12;
	v14 =	vmpcnt.ones.xlane vm0;
	(v2sf) =	vpush v8, $0xF;
	_ =	sdelay $0x1  }
0x1d2: {  	s23 =	simm.s32 $0x20B0;
	v8 =	vmctz.xlane vm0;
	v14 =	vxor.u32 $0x80000000, v14  }
0x1d3: {  	v15 =	vld [tilespmem:s23+$0x0]  }
0x1d4: {  	s24 =	spop (v2sf);
	v8 =	vxor.u32 $0x80000000, v8;
	(xrf0) =	vmax.scan.msk.u32 $0xffff, v14  }
0x1d5: {  	s0 =	sadd.s32 s0, s24;
	(xrf0) =	vmax.scan.msk.u32 $0xffff, v8;
	v8 =	vperm.xlane v12, v4;
	v14, _, _ =	vpop (xrf0)  }
0x1d6: {  	v12 =	vadd.s32 s0, v14;
	v14, _, _ =	vpop (xrf0)  }
0x1d7: {  	(xrf0) =	vadd.scan.msk.s32 $0xffff, v8;
	vm0 =	vge.s32 v12, v6;
	(v2sf) =	vpush v14, $0xF  }
0x1d8: {  	(xrf0) =	vadd.scan.msk.s32 $0xffff, v15;
	v14 =	vmpcnt.ones.xlane vm0;
	v16 =	vmctz.xlane vm0;
	_ =	sdelay $0x1  }
0x1d9: {  	v17, _, _ =	vpop (xrf0);
	v14 =	vxor.u32 $0x80000000, v14;
	v16 =	vxor.u32 $0x80000000, v16  }
0x1da: {  	s25 =	simm.s32 $0x20A0;
	(v2sf) =	vpush v17, $0xF;
	v17, _, _ =	vpop (xrf0);
	(xrf0) =	vmax.scan.msk.u32 $0xffff, v14  }
0x1db: {  	s26 =	spop (v2sf);
	(v2sf) =	vpush v17, $0xF;
	v14 =	vld [tilespmem:s25+$0x0];
	(xrf0) =	vmax.scan.msk.u32 $0xffff, v16  }
0x1dc: {  	s0 =	sadd.s32 s0, s26;
	v16, _, _ =	vpop (xrf0)  }
0x1dd: {  	v17 =	vperm.xlane v15, v4;
	v15, _, _ =	vpop (xrf0);
	v16 =	vadd.s32 s0, v16;
	s28 =	spop (v2sf)  }
0x1de: {  	(v2sf) =	vpush v15, $0xF;
	vm0 =	vge.s32 v16, v6;
	s2 =	spop (v2sf)  }
0x1df: {  	(xrf0) =	vadd.scan.msk.s32 $0xffff, v17;
	v15 =	vmpcnt.ones.xlane vm0;
	s3 =	sxor.u32 $0x80000000, s2  }
0x1e0: {  	v11 =	vxor.u32 $0x80000000, v11;
	v18 =	vmctz.xlane vm0;
	(xrf0) =	vadd.scan.msk.s32 $0xffff, v14;
	v19, _, _ =	vpop (xrf0);
	v20 =	vmov s3  }
0x1e1: {  	(v2sf) =	vpush v19, $0xF;
	v19, _, _ =	vpop (xrf0);
	v15 =	vxor.u32 $0x80000000, v15;
	vm0 =	veq.s32 v20, v0  }
0x1e2: {  	v18 =	vxor.u32 $0x80000000, v18;
	(v2sf) =	vpush v19, $0xF;
	(xrf0) =	vmax.scan.msk.u32 $0xffff, v15;
	v11 =	vnsel vm0, $0x0, v11  }
0x1e3: {  	v10 =	vxor.u32 $0x80000000, v10;
	(xrf0) =	vmax.scan.msk.u32 $0xffff, v18  }
0x1e4: {  	v10 =	vnsel vm0, $0x0, v10;
	(xrf0) =	vmax.scan.msk.u32 $0xffff, v11  }
0x1e5: {  	v11, _, _ =	vpop (xrf0);
	(xrf0) =	vmax.scan.msk.u32 $0xffff, v10;
	s4 =	spop (v2sf)  }
0x1e6: {  	s29 =	simm.s32 $0x2090;
	v10 =	vperm.xlane v14, v4;
	v14, _, _ =	vpop (xrf0);
	s0 =	sadd.s32 s0, s4  }
0x1e7: {  	v15 =	vld [tilespmem:s29+$0x0];
	(v2sf) =	vpush v14, $0xF;
	v14 =	vadd.s32 s0, v11  }
0x1e8: {  	(xrf0) =	vadd.scan.msk.s32 $0xffff, v10;
	v11, _, _ =	vpop (xrf0);
	vm0 =	vge.s32 v14, v6  }
0x1e9: {  	s30 =	spop (v2sf);
	(v2sf) =	vpush v11, $0xF;
	v11, _, _ =	vpop (xrf0);
	v18 =	vmpcnt.ones.xlane vm0  }
0x1ea: {  	s31 =	spop (v2sf);
	(v2sf) =	vpush v11, $0xF;
	v11, _, _ =	vpop (xrf0)  }
0x1eb: {  	v19 =	vmctz.xlane vm0;
	s6 =	sxor.u32 $0x80000000, s31;
	(v2sf) =	vpush v11, $0xF;
	v11, _, _ =	vpop (xrf0);
	v18 =	vxor.u32 $0x80000000, v18  }
0x1ec: {  	p0 =	por $0x1, $0x1;
	s15 =	simm.s32 $0x0;
	(xrf0) =	vadd.scan.msk.s32 $0xffff, v15;
	v20 =	vmov s6;
	(v2sf) =	vpush v11, $0xF  }
0x1ed: {  	s7 =	simm.s32 $0x2080;
	s16 =	simm.s32 $0x8000006F;
	v11 =	vxor.u32 $0x80000000, v13;
	v13 =	vxor.u32 $0x80000000, v19;
	(xrf0) =	vmax.scan.msk.u32 $0xffff, v18;
	vm0 =	veq.s32 v20, v0;
	s5 =	spop (v2sf)  }
0x1ee: {  	s17 =	simm.s32 $0x8000005F;
	s23 =	simm.s32 $0x800000BF;
	v9 =	vxor.u32 $0x80000000, v9;
	(xrf0) =	vmax.scan.msk.u32 $0xffff, v13;
	v11 =	vnsel vm0, $0x0, v11;
	v13 =	vld [tilespmem:s7+$0x0];
	v18, _, _ =	vpop (xrf0);
	s0 =	sadd.s32 s0, s5  }
0x1ef: {  	s14 =	simm.s32 $0x0;
	s19 =	simm.s32 $0x8000007F;
	p1 =	sgt.u32 s28, $0x80000000;
	v9 =	vnsel vm0, $0x0, v9;
	(xrf0) =	vmax.scan.msk.u32 $0xffff, v11;
	v18 =	vadd.s32 s0, v18  }
0x1f0: {  	s18 =	simm.s32 $0x8000004F;
	p0 =	por !p0, !p1;
	v19 =	vperm.xlane v15, v4;
	(xrf0) =	vmax.scan.msk.u32 $0xffff, v9;
	s8 =	spop (v2sf);
	vm0 =	vge.s32 v18, v6  }
0x1f1: {  	s20 =	simm.s32 $0x8000008F;
	p1 =	por !p0, !p0;
	s10 =	spop (v2sf);
	v9 =	vmpcnt.ones.xlane vm0  }
0x1f2: {  	s21 =	simm.s32 $0x8000009F;
	s15 =	simm.s32 @p1 $0x1;
	v20 =	vxor.u32 $0x80000000, v12;
	(xrf0) =	vadd.scan.msk.s32 $0xffff, v19;
	v11, _, _ =	vpop (xrf0);
	v12 =	vmctz.xlane vm0;
	s11 =	sxor.u32 $0x80000000, s10  }
0x1f3: {  	s22 =	simm.s32 $0x800000AF;
	p4 =	seq.s32 s15, $0x0;
	p2 =	sgt.u32 s30, $0x80000000;
	(v2sf) =	vpush v11, $0xF;
	v21, _, _ =	vpop (xrf0);
	(xrf0) =	vadd.scan.msk.s32 $0xffff, v13;
	v15 =	vmov s11;
	v9 =	vxor.u32 $0x80000000, v9  }
0x1f4: {  	s25 =	simm.s32 $0x2070;
	s2 =	ssub.s32 $0x800000FF, s2;
	p0 =	por !p4, !p2;
	v11 =	vxor.u32 $0x80000000, v8;
	v22, _, _ =	vpop (xrf0);
	v8 =	vxor.u32 $0x80000000, v12;
	(xrf0) =	vmax.scan.msk.u32 $0xffff, v9;
	vm0 =	veq.s32 v15, v0  }
0x1f5: {  	s14 =	smov.u32 @p1 s2;
	p1 =	por p1, p1;
	p0 =	por !p0, !p0;
	v23, _, _ =	vpop (xrf0);
	(xrf0) =	vmax.scan.msk.u32 $0xffff, v8;
	v8 =	vnsel vm0, $0x0, v20  }
0x1f6: {  	v7 =	vxor.u32 $0x80000000, v7;
	p1 =	por p1, p1;
	s1 =	ssub.s32 $0x800000EF, s31;
	s15 =	simm.s32 @p0 $0x1;
	v12 =	vxor.u32 $0x80000000, v17;
	(v2sf) =	vpush v21, $0xF;
	v17, _, _ =	vpop (xrf0);
	(xrf0) =	vmax.scan.msk.u32 $0xffff, v8  }
0x1f7: {  	s14 =	smov.u32 @p0 s1;
	p0 =	por p0, p0;
	v15 =	vxor.u32 $0x80000000, v16;
	v9 =	vxor.u32 $0x80000000, v10;
	(v2sf) =	vpush v22, $0xF;
	s12 =	spop (v2sf)  }
0x1f8: {  	p5 =	seq.s32 s15, $0x0;
	p3 =	sgt.u32 s8, $0x80000000;
	v10 =	vxor.u32 $0x80000000, v18;
	v7 =	vnsel vm0, $0x0, v7;
	v18, _, _ =	vpop (xrf0);
	(v2sf) =	vpush v23, $0xF;
	s26 =	sadd.s32 s0, s12  }
0x1f9: {  	p2 =	por !p5, !p3;
	s1 =	ssub.s32 $0x800000DF, s10;
	(xrf0) =	vmax.scan.msk.u32 $0xffff, v7;
	v7 =	vadd.s32 s26, v18;
	s24 =	spop (v2sf);
	(v2sf) =	vpush v17, $0xF;
	v17 =	vperm.xlane v13, v4;
	v13, _, _ =	vpop (xrf0)  }
0x1fa: {  	p3 =	por !p2, !p2;
	p2 =	por p1, p1;
	v16 =	vld [tilespmem:s25+$0x0];
	v8 =	vxor.u32 $0x80000000, v19;
	vm0 =	vge.s32 v7, v6;
	s28 =	spop (v2sf);
	(v2sf) =	vpush v13, $0xF;
	v19, _, _ =	vpop (xrf0)  }
0x1fb: {  	p1 =	por p0, p0;
	s15 =	simm.s32 @p3 $0x1;
	v18 =	vmpcnt.ones.xlane vm0;
	s30 =	spop (v2sf);
	(v2sf) =	vpush v19, $0xF;
	v19, _, _ =	vpop (xrf0)  }
0x1fc: {  	s14 =	smov.u32 @p3 s1;
	p0 =	por p3, p3;
	s31 =	spop (v2sf);
	(v2sf) =	vpush v19, $0xF;
	v19, _, _ =	vpop (xrf0)  }
0x1fd: {  	p6 =	seq.s32 s15, $0x0;
	s0 =	simm.s32 $0x8000003F;
	p4 =	sgt.u32 s24, $0x80000000;
	v18 =	vxor.u32 $0x80000000, v18;
	(v2sf) =	vpush v19, $0xF  }
0x1fe: {  	v13 =	vxor.u32 $0x80000000, v7;
	s29 =	sxor.u32 $0x80000000, s28;
	p3 =	por !p6, !p4;
	v7 =	vxor.u32 $0x80000000, v17;
	(xrf0) =	vadd.scan.msk.s32 $0xffff, v17;
	v17 =	vmctz.xlane vm0;
	s1 =	ssub.s32 $0x800000CF, s28  }
0x1ff: {  	p3 =	por !p3, !p3;
	s2 =	sxor.u32 $0x80000000, s30;
	(xrf0) =	vadd.scan.msk.s32 $0xffff, v16;
	v20 =	vmov s29;
	s3 =	sxor.u32 $0x80000000, s31  }
0x200: {  	v14 =	vxor.u32 $0x80000000, v14;
	s15 =	simm.s32 @p3 $0x1;
	v17 =	vxor.u32 $0x80000000, v17;
	vm0 =	veq.s32 v20, v0;
	s14 =	smov.u32 @p3 s1;
	(xrf0) =	vmax.scan.msk.u32 $0xffff, v18;
	s24 =	ssub.s32 s2, s3;
	v18, _, _ =	vpop (xrf0)  }
.LBB2_13:
0x201: {  	p4 =	sne.s32 s0, $0x8000000F  }
0x202: {  	s25 =	sadd.s32 $0xFFFFFFF0, s25;
	s13 =	smov.u32 @p2 s24;
	s1 =	smov.u32 s23  }
0x203: {  	(xrf0) =	vmax.scan.msk.u32 $0xffff, v17;
	v17 =	vnsel vm0, $0x0, v15;
	v19 =	vnsel vm0, $0x0, v11;
	(v2sf) =	vpush v18, $0xF;
	v15 =	vmovc v14;
	s23 =	smov.u32 s22;
	s22 =	smov.u32 s21;
	p2 =	por p1, p1  }
0x204: {  	v14 =	vmovc v10;
	v10 =	vmovc v13;
	v11 =	vmov v12;
	v12 =	vmov v9;
	v9 =	vmov v8;
	p1 =	por p0, p0;
	p0 =	por p3, p3;
	s21 =	smov.u32 s20  }
0x205: {  	v8 =	vmov v7;
	s20 =	smov.u32 s19;
	s19 =	smov.u32 s16;
	v18 =	vld [tilespmem:s25+$0x0];
	s2 =	spop (v2sf);
	(xrf0) =	vmax.scan.msk.u32 $0xffff, v17  }
0x206: {  	s16 =	smov.u32 s17;
	s17 =	smov.u32 s18;
	v7, _, _ =	vpop (xrf0);
	s26 =	sadd.s32 s26, s2;
	(xrf0) =	vmax.scan.msk.u32 $0xffff, v19  }
0x207: {  	s18 =	smov.u32 s0;
	p3 =	seq.s32 s15, $0x0;
	v19 =	vperm.xlane v16, v4;
	v13, _, _ =	vpop (xrf0);
	v7 =	vadd.s32 s26, v7;
	s2 =	spop (v2sf)  }
.Ltmp6:
0x208: {  	(v2sf) =	vpush v13, $0xF;
	vm0 =	vge.s32 v7, v6;
	v13 =	vxor.u32 $0x80000000, v7;
	p5 =	sgt.u32 s2, $0x80000000;
	s2 =	spop (v2sf);
	(pc) =	sbr.rel @p4 .LBB2_13-.Ltmp6, $4  }
0x209: {  	v7 =	vxor.u32 $0x80000000, v19;
	(xrf0) =	vadd.scan.msk.s32 $0xffff, v19;
	v17 =	vmpcnt.ones.xlane vm0;
	v22 =	vmctz.xlane vm0;
	v16, _, _ =	vpop (xrf0);
	s3 =	sxor.u32 $0x80000000, s2;
	p3 =	por !p3, !p5;
	s4 =	spop (v2sf)  }
0x20a: {  	(xrf0) =	vadd.scan.msk.s32 $0xffff, v18;
	(v2sf) =	vpush v16, $0xF;
	v20, _, _ =	vpop (xrf0);
	v21 =	vmov s3;
	p3 =	por !p3, !p3;
	s3 =	sxor.u32 $0x80000000, s4;
	s4 =	spop (v2sf);
	v16 =	vmov v18  }
0x20b: {  	s1 =	ssub.s32 s1, s2;
	v23 =	vxor.u32 $0x80000000, v17;
	v17 =	vxor.u32 $0x80000000, v22;
	(v2sf) =	vpush v20, $0xF;
	s15 =	simm.s32 @p3 $0x1;
	v19, _, _ =	vpop (xrf0);
	s2 =	sxor.u32 $0x80000000, s4  }
0x20c: {  	s0 =	sadd.s32 $0xFFFFFFF0, s0;
	vm0 =	veq.s32 v21, v0;
	s14 =	smov.u32 @p3 s1;
	(xrf0) =	vmax.scan.msk.u32 $0xffff, v23;
	(v2sf) =	vpush v19, $0xF;
	v18, _, _ =	vpop (xrf0);
	s24 =	ssub.s32 s3, s2  }
0x20d: {  	_ = 	snop  }
0x20e: {  	s0 =	sadd.s32 $0xFFFFFFF0, s25;
	(xrf0) =	vmax.scan.msk.u32 $0xffff, v17;
	s1 =	spop (v2sf)  }
0x20f: {  	v55 =	vnsel vm0, $0x0, v15;
	v19 =	vld [tilespmem:s0+$0x0];
	s1 =	sadd.s32 s26, s1;
	v56, _, _ =	vpop (xrf0)  }
0x210: {  	v20 =	vnsel vm0, $0x0, v11;
	(v2sf) =	vpush v18, $0xF;
	v57, _, _ =	vpop (xrf0);
	v15 =	vadd.s32 s1, v56  }
0x211: {  	v11 =	vperm.xlane v16, v4;
	s2 =	spop (v2sf);
	(xrf0) =	vmax.scan.msk.u32 $0xffff, v55;
	(v2sf) =	vpush v57, $0xF;
	vm4 =	vge.s32 v15, v6  }
0x212: {  	s25 =	spop (v2sf);
	(xrf0) =	vmax.scan.msk.u32 $0xffff, v20;
	v58 =	vmpcnt.ones.xlane vm4  }
0x213: {  	s7 =	sxor.u32 $0x80000000, s25;
	(xrf0) =	vadd.scan.msk.s32 $0xffff, v11;
	v59 =	vmctz.xlane vm4;
	v60, _, _ =	vpop (xrf0)  }
0x214: {  	s3 =	sadd.s32 $0xFFFFFFF0, s0;
	v62 =	vmov s7;
	(xrf0) =	vadd.scan.msk.s32 $0xffff, v19;
	(v2sf) =	vpush v60, $0xF;
	v61, _, _ =	vpop (xrf0);
	v16 =	vxor.u32 $0x80000000, v58  }
0x215: {  	v63 =	vld [tilespmem:s3+$0x0];
	vm5 =	veq.s32 v62, v0;
	v17 =	vxor.u32 $0x80000000, v59;
	(v2sf) =	vpush v61, $0xF;
	(xrf0) =	vmax.scan.msk.u32 $0xffff, v16  }
0x216: {  	v14 =	vnsel vm5, $0x0, v14;
	(xrf0) =	vmax.scan.msk.u32 $0xffff, v17  }
0x217: {  	v23 =	vnsel vm5, $0x0, v12;
	v24 =	vperm.xlane v19, v4;
	v22, _, _ =	vpop (xrf0);
	(xrf0) =	vmax.scan.msk.u32 $0xffff, v14  }
0x218: {  	s7 =	spop (v2sf);
	v25, _, _ =	vpop (xrf0);
	(xrf0) =	vmax.scan.msk.u32 $0xffff, v23  }
0x219: {  	s31 =	spop (v2sf);
	v26, _, _ =	vpop (xrf0);
	(xrf0) =	vadd.scan.msk.s32 $0xffff, v24  }
0x21a: {  	(v2sf) =	vpush v22, $0xF;
	s8 =	spop (v2sf);
	v27, _, _ =	vpop (xrf0);
	(xrf0) =	vadd.scan.msk.s32 $0xffff, v63  }
0x21b: {  	(v2sf) =	vpush v25, $0xF;
	s4 =	sadd.s32 s1, s8;
	v28, _, _ =	vpop (xrf0)  }
0x21c: {  	v29 =	vadd.s32 s4, v26;
	s6 =	spop (v2sf);
	(v2sf) =	vpush v27, $0xF;
	v30, _, _ =	vpop (xrf0)  }
0x21d: {  	[dreg:$0xc] =	wrdreg s2;
	vm6 =	vge.s32 v29, v6;
	s2 =	spop (v2sf);
	(v2sf) =	vpush v28, $0xF;
	v31, _, _ =	vpop (xrf0)  }
0x21e: {  	v32 =	vmpcnt.ones.xlane vm6;
	s26 =	spop (v2sf);
	(v2sf) =	vpush v30, $0xF;
	v33, _, _ =	vpop (xrf0)  }
0x21f: {  	v34 =	vmctz.xlane vm6;
	s5 =	sxor.u32 $0x80000000, s2;
	s1 =	spop (v2sf);
	(v2sf) =	vpush v31, $0xF;
	v35, _, _ =	vpop (xrf0)  }
0x220: {  	s3 =	sadd.s32 $0xFFFFFFF0, s3;
	v21 =	vmov s5;
	v19 =	vxor.u32 $0x80000000, v32;
	(v2sf) =	vpush v33, $0xF;
	s10 =	spop (v2sf);
	v36, _, _ =	vpop (xrf0)  }
0x221: {  	v37 =	vld [tilespmem:s3+$0x0];
	v20 =	vxor.u32 $0x80000000, v34;
	vm7 =	veq.s32 v21, v0;
	(xrf0) =	vmax.scan.msk.u32 $0xffff, v19;
	s11 =	sadd.s32 s4, s10;
	(v2sf) =	vpush v36, $0xF  }
0x222: {  	v38 =	vnsel vm7, $0x0, v10;
	(xrf0) =	vmax.scan.msk.u32 $0xffff, v20;
	v39 =	vadd.s32 s11, v35  }
0x223: {  	v41 =	vperm.xlane v63, v4;
	v40 =	vnsel vm7, $0x0, v9;
	(xrf0) =	vmax.scan.msk.u32 $0xffff, v38;
	s4 =	spop (v2sf);
	vm8 =	vge.s32 v39, v6  }
0x224: {  	(xrf0) =	vmax.scan.msk.u32 $0xffff, v40;
	s28 =	spop (v2sf);
	v42 =	vmpcnt.ones.xlane vm8  }
0x225: {  	(xrf0) =	vadd.scan.msk.s32 $0xffff, v41;
	v43 =	vmctz.xlane vm8;
	s12 =	sxor.u32 $0x80000000, s28  }
0x226: {  	(xrf0) =	vadd.scan.msk.s32 $0xffff, v37;
	v44 =	vmov s12;
	v16 =	vxor.u32 $0x80000000, v42  }
0x227: {  	v45, _, _ =	vpop (xrf0);
	v17 =	vxor.u32 $0x80000000, v43;
	vm9 =	veq.s32 v44, v0;
	(xrf0) =	vmax.scan.msk.u32 $0xffff, v16  }
0x228: {  	v46, _, _ =	vpop (xrf0);
	v13 =	vnsel vm9, $0x0, v13;
	(xrf0) =	vmax.scan.msk.u32 $0xffff, v17  }
0x229: {  	s10 =	spop (v2sf);
	v47, _, _ =	vpop (xrf0);
	v18 =	vnsel vm9, $0x0, v8;
	v8 =	vperm.xlane v37, v4;
	(xrf0) =	vmax.scan.msk.u32 $0xffff, v13  }
0x22a: {  	s8 =	spop (v2sf);
	v48, _, _ =	vpop (xrf0);
	(xrf0) =	vmax.scan.msk.u32 $0xffff, v18  }
0x22b: {  	s29 =	spop (v2sf);
	v49, _, _ =	vpop (xrf0);
	(xrf0) =	vadd.scan.msk.s32 $0xffff, v8  }
0x22c: {  	v50, _, _ =	vpop (xrf0);
	s5 =	spop (v2sf)  }
0x22d: {  	s11 =	sadd.s32 s11, s29;
	s29 =	spop (v2sf);
	v51, _, _ =	vpop (xrf0)  }
0x22e: {  	(v2sf) =	vpush v45, $0xF;
	v52 =	vadd.s32 s11, v49;
	s30 =	spop (v2sf);
	v53, _, _ =	vpop (xrf0)  }
0x22f: {  	(v2sf) =	vpush v46, $0xF;
	vm10 =	vge.s32 v52, v6;
	s3 =	spop (v2sf);
	v54, _, _ =	vpop (xrf0)  }
0x230: {  	(v2sf) =	vpush v47, $0xF;
	v55 =	vmpcnt.ones.xlane vm10;
	s12 =	sxor.u32 $0x80000000, s29;
	v22, _, _ =	vpop (xrf0);
	s0 =	spop (v2sf)  }
0x231: {  	v56 =	vmctz.xlane vm10;
	(v2sf) =	vpush v48, $0xF;
	v23 =	vmov s12;
	s0 =	sadd.s32 s11, s0;
	v57, _, _ =	vpop (xrf0)  }
0x232: {  	vm11 =	veq.s32 v23, v0;
	v21 =	vxor.u32 $0x80000000, v55;
	v13 =	vadd.s32 s0, v57  }
0x233: {  	v58 =	vxor.u32 $0x80000000, v56;
	(xrf0) =	vmax.scan.msk.u32 $0xffff, v21;
	vm1 =	vge.s32 v13, v6;
	v6 =	vxor.u32 $0x80000000, v15  }
0x234: {  	(xrf0) =	vmax.scan.msk.u32 $0xffff, v58;
	v6 =	vnsel vm11, $0x0, v6  }
0x235: {  	v59 =	vmpcnt.ones.xlane vm1;
	(xrf0) =	vmax.scan.msk.u32 $0xffff, v6;
	v6 =	vmctz.xlane vm1  }
0x236: {  	(v2sf) =	vpush v50, $0xF;
	v7 =	vnsel vm11, $0x0, v7  }
0x237: {  	(v2sf) =	vpush v51, $0xF;
	(xrf0) =	vmax.scan.msk.u32 $0xffff, v7;
	v7 =	vxor.u32 $0x80000000, v59;
	v6 =	vxor.u32 $0x80000000, v6  }
0x238: {  	s13 =	smov.u32 @p2 s24;
	s24 =	rddreg [dreg:$0xc];
	(v2sf) =	vpush v53, $0xF;
	(xrf0) =	vmax.scan.msk.u32 $0xffff, v7  }
0x239: {  	p4 =	seq.s32 s15, $0x0;
	p6 =	sgt.u32 s24, $0x80000000;
	(v2sf) =	vpush v54, $0xF;
	(xrf0) =	vmax.scan.msk.u32 $0xffff, v6  }
0x23a: {  	p1 =	por p1, p1;
	p2 =	por !p4, !p6;
	(v2sf) =	vpush v22, $0xF;
	v6, _, _ =	vpop (xrf0)  }
0x23b: {  	p0 =	por p0, p0;
	p3 =	por p3, p3;
	p2 =	por !p2, !p2;
	(v2sf) =	vpush v6, $0xF;
	v6, _, _ =	vpop (xrf0)  }
0x23c: {  	p0 =	por p0, p0;
	p3 =	por p3, p3;
	s15 =	simm.s32 @p2 $0x1;
	(v2sf) =	vpush v6, $0xF;
	v6, _, _ =	vpop (xrf0)  }
0x23d: {  	s12 =	sxor.u32 $0x80000000, s31;
	s11 =	sxor.u32 $0x80000000, s7;
	s24 =	spop (v2sf);
	(v2sf) =	vpush v6, $0xF;
	v6, _, _ =	vpop (xrf0)  }
0x23e: {  	s7 =	ssub.s32 s23, s25;
	s0 =	ssub.s32 s11, s12;
	s23 =	spop (v2sf);
	(v2sf) =	vpush v6, $0xF;
	v6, _, _ =	vpop (xrf0)  }
0x23f: {  	s13 =	smov.u32 @p1 s0;
	s0 =	ssub.s32 s22, s2;
	s22 =	spop (v2sf);
	(v2sf) =	vpush v6, $0xF;
	v6, _, _ =	vpop (xrf0)  }
0x240: {  	p3 =	por p3, p3;
	p5 =	seq.s32 s15, $0x0;
	s31 =	spop (v2sf);
	(v2sf) =	vpush v6, $0xF  }
0x241: {  	p6 =	sgt.u32 s6, $0x80000000;
	s1 =	sxor.u32 $0x80000000, s1;
	s6 =	ssub.s32 s21, s28  }
0x242: {  	s10 =	sxor.u32 $0x80000000, s10;
	s8 =	sxor.u32 $0x80000000, s8;
	s3 =	sxor.u32 $0x80000000, s3  }
0x243: {  	s14 =	smov.u32 @p2 s7;
	p2 =	por p2, p2;
	p1 =	por !p5, !p6  }
0x244: {  	p5 =	sgt.u32 s4, $0x80000000;
	p2 =	por p2, p2;
	p1 =	por !p1, !p1  }
0x245: {  	s14 =	smov.u32 @p1 s0;
	s0 =	sxor.u32 $0x80000000, s26;
	s7 =	spop (v2sf)  }
0x246: {  	s15 =	simm.s32 @p1 $0x1;
	s0 =	ssub.s32 s0, s1;
	s7 =	spop (v2sf)  }
0x247: {  	p4 =	seq.s32 s15, $0x0;
	s13 =	smov.u32 @p0 s0;
	s0 =	spop (v2sf)  }
0x248: {  	p0 =	por !p4, !p5;
	s11 =	sxor.u32 $0x80000000, s23;
	s4 =	spop (v2sf)  }
0x249: {  	s1 =	ssub.s32 s10, s8;
	p0 =	por !p0, !p0;
	v6 =	vmov s11;
	s8 =	spop (v2sf)  }
0x24a: {  	p1 =	por p1, p1;
	v7 =	vxor.u32 $0x80000000, v29;
	s14 =	smov.u32 @p0 s6;
	vm12 =	veq.s32 v6, v0;
	s6 =	spop (v2sf)  }
0x24b: {  	s13 =	smov.u32 @p3 s1;
	s12 =	sxor.u32 $0x80000000, s0;
	v7 =	vnsel vm12, $0x0, v7;
	s1 =	spop (v2sf)  }
0x24c: {  	p1 =	por p1, p1;
	p5 =	sgt.u32 s5, $0x80000000;
	v6 =	vxor.u32 $0x80000000, v11;
	(xrf0) =	vmax.scan.msk.u32 $0xffff, v7;
	v7 =	vmov s12;
	s5 =	spop (v2sf)  }
0x24d: {  	v10 =	vxor.u32 $0x80000000, v39;
	s26 =	sxor.u32 $0x80000000, s30;
	p1 =	por p1, p1;
	v6 =	vnsel vm12, $0x0, v6;
	vm13 =	veq.s32 v7, v0;
	s25 =	spop (v2sf)  }
0x24e: {  	s15 =	simm.s32 @p0 $0x1;
	(xrf0) =	vmax.scan.msk.u32 $0xffff, v6;
	v6 =	vxor.u32 $0x80000000, v24;
	v7 =	vnsel vm13, $0x0, v10;
	s21 =	sxor.u32 $0x80000000, s1;
	s28 =	spop (v2sf)  }
0x24f: {  	p6 =	seq.s32 s15, $0x0;
	s11 =	ssub.s32 s20, s29;
	v6 =	vnsel vm13, $0x0, v6;
	(xrf0) =	vmax.scan.msk.u32 $0xffff, v7;
	v7 =	vmov s21;
	s29 =	spop (v2sf)  }
0x250: {  	v60 =	vxor.u32 $0x80000000, v52;
	p0 =	por p0, p0;
	p4 =	por !p6, !p5;
	(xrf0) =	vmax.scan.msk.u32 $0xffff, v6;
	vm14 =	veq.s32 v7, v0;
	s30 =	sxor.u32 $0x80000000, s29  }
0x251: {  	p3 =	por p2, p2;
	p0 =	por p0, p0;
	p2 =	por !p4, !p4;
	v7 =	vnsel vm14, $0x0, v60;
	v61 =	vmov s30  }
0x252: {  	p5 =	sgt.u32 s24, $0x80000000;
	p4 =	por p0, p0;
	s15 =	simm.s32 @p2 $0x1;
	v6 =	vxor.u32 $0x80000000, v41;
	v62, _, _ =	vpop (xrf0);
	(xrf0) =	vmax.scan.msk.u32 $0xffff, v7;
	v7 =	vxor.u32 $0x80000000, v13;
	vm15 =	veq.s32 v61, v0  }
0x253: {  	s2 =	sxor.u32 $0x80000000, s22;
	p6 =	seq.s32 s15, $0x0;
	s31 =	sxor.u32 $0x80000000, s31;
	v6 =	vnsel vm14, $0x0, v6;
	v7 =	vnsel vm15, $0x0, v7  }
0x254: {  	s2 =	ssub.s32 s2, s31;
	s14 =	smov.u32 @p2 s11;
	s12 =	ssub.s32 s26, s3;
	v63, _, _ =	vpop (xrf0);
	(xrf0) =	vmax.scan.msk.u32 $0xffff, v6;
	v6 =	vxor.u32 $0x80000000, v8  }
0x255: {  	s11 =	ssub.s32 s19, s23;
	s13 =	smov.u32 @p3 s12;
	p3 =	por !p6, !p5;
	(v2sf) =	vpush v62, $0xF;
	v8, _, _ =	vpop (xrf0);
	v6 =	vnsel vm15, $0x0, v6;
	(xrf0) =	vmax.scan.msk.u32 $0xffff, v7  }
0x256: {  	p2 =	por p2, p2;
	s0 =	ssub.s32 s16, s0;
	p3 =	por !p3, !p3;
	(v2sf) =	vpush v63, $0xF;
	v7, _, _ =	vpop (xrf0);
	(xrf0) =	vmax.scan.msk.u32 $0xffff, v6  }
0x257: {  	p6 =	sgt.u32 s7, $0x80000000;
	s12 =	sxor.u32 $0x80000000, s8;
	s15 =	simm.s32 @p3 $0x1  }
0x258: {  	s13 =	smov.u32 @p1 s2;
	p1 =	por p2, p2;
	p5 =	seq.s32 s15, $0x0;
	(v2sf) =	vpush v8, $0xF  }
0x259: {  	s14 =	smov.u32 @p3 s11;
	s11 =	sxor.u32 $0x80000000, s4;
	p2 =	por !p5, !p6;
	(v2sf) =	vpush v7, $0xF;
	v6, _, _ =	vpop (xrf0)  }
0x25a: {  	p0 =	por p3, p3;
	s2 =	ssub.s32 s11, s12;
	p2 =	por !p2, !p2;
	(v2sf) =	vpush v6, $0xF;
	v6, _, _ =	vpop (xrf0)  }
0x25b: {  	s13 =	smov.u32 @p4 s2;
	p5 =	por p1, p1;
	s15 =	simm.s32 @p2 $0x1;
	(v2sf) =	vpush v6, $0xF;
	v6, _, _ =	vpop (xrf0)  }
0x25c: {  	s14 =	smov.u32 @p2 s0;
	p4 =	seq.s32 s15, $0x0;
	p6 =	sgt.u32 s6, $0x80000000;
	(v2sf) =	vpush v6, $0xF;
	v6, _, _ =	vpop (xrf0)  }
0x25d: {  	p1 =	por p2, p2;
	p3 =	por !p4, !p6;
	p4 =	por p0, p0;
	(v2sf) =	vpush v6, $0xF  }
0x25e: {  	s1 =	ssub.s32 s17, s1;
	p0 =	por !p3, !p3;
	s19 =	sxor.u32 $0x80000000, s5  }
0x25f: {  	p2 =	por p4, p4;
	s20 =	sxor.u32 $0x80000000, s25;
	s15 =	simm.s32 @p0 $0x1  }
0x260: {  	[tilespmem:$0x2000] =	vst v1;
	s14 =	smov.u32 @p0 s1;
	p0 =	por p0, p0;
	s0 =	ssub.s32 s19, s20  }
0x261: {  	[tilespmem:$0x2010] =	vst v1;
	p6 =	sgt.u32 s28, $0x80000000;
	s13 =	smov.u32 @p5 s0;
	p5 =	seq.s32 s15, $0x0  }
0x262: {  	[tilespmem:$0x2020] =	vst v1;
	p0 =	por p0, p0;
	s2 =	ssub.s32 s18, s29;
	p5 =	por !p5, !p6  }
0x263: {  	[tilespmem:$0x2030] =	vst v1;
	p0 =	por p0, p0;
	p6 =	por p1, p1;
	p1 =	por !p5, !p5  }
0x264: {  	[tilespmem:$0x2040] =	vst v1;
	s14 =	smov.u32 @p1 s2;
	p1 =	por p1, p1;
	s21 =	spop (v2sf)  }
0x265: {  	[tilespmem:$0x2050] =	vst v1;
	s30 =	rddreg [dreg:$0x8];
	p1 =	por p1, p1;
	s22 =	spop (v2sf)  }
0x266: {  	[tilespmem:$0x2060] =	vst v1;
	s2 =	sshll.u32 s14, $0x8;
	s0 =	sxor.u32 $0x80000000, s21;
	s1 =	sxor.u32 $0x80000000, s22  }
0x267: {  	[tilespmem:$0x2070] =	vst v1;
	s2 =	sor.u32 s30, s2;
	s0 =	ssub.s32 s0, s1;
	s23 =	spop (v2sf)  }
0x268: {  	[tilespmem:$0x2080] =	vst v1;
	s13 =	smov.u32 @p2 s0;
	p2 =	por p6, p6;
	s24 =	spop (v2sf)  }
0x269: {  	[tilespmem:$0x2090] =	vst v1;
	s1 =	sxor.u32 $0x80000000, s23;
	s0 =	sxor.u32 $0x80000000, s24;
	s25 =	spop (v2sf)  }
0x26a: {  	[tilespmem:$0x20A0] =	vst v1;
	s0 =	ssub.s32 s1, s0;
	s26 =	spop (v2sf);
	s1 =	sxor.u32 $0x80000000, s25  }
0x26b: {  	[tilespmem:$0x20B0] =	vst v1;
	s13 =	smov.u32 @p2 s0;
	s0 =	sxor.u32 $0x80000000, s26;
	s28 =	spop (v2sf)  }
0x26c: {  	[tilespmem:$0x20C0] =	vst v1;
	[dreg:$0xb] =	wrdreg s2;
	s0 =	ssub.s32 s1, s0;
	s29 =	spop (v2sf)  }
0x26d: {  	[tilespmem:$0x20D0] =	vst v1;
	s13 =	smov.u32 @p0 s0;
	s1 =	sxor.u32 $0x80000000, s28;
	s0 =	sxor.u32 $0x80000000, s29  }
0x26e: {  	[tilespmem:$0x20E0] =	vst v1;
	s31 =	sshrl.u32 s2, $0x8;
	p0 =	por p1, p1;
	s0 =	ssub.s32 s1, s0  }
0x26f: {  	[tilespmem:$0x20F0] =	vst v1;
	v6 =	vmov s31;
	s1 =	simm.s32 $0x0;
	s13 =	smov.u32 @p0 s0;
	s0 =	simm.s32 $0x40  }
.LBB2_15:
0x270: {  	p0 =	seq.s32 s0, $0x3FC0;
	v7 =	vld [tilespmem:s1+$0x1000];
	_ =	sdelay $0x4  }
0x271: {  	v8 =	vshrl.u32 v7, $0x8  }
0x272: {  	vm0 =	veq.s32 v8, v6  }
0x273: {  	v7 =	vand.u32 $0xFF, v7  }
.Ltmp7:
0x274: {  	(pc) =	sbr.rel @!p0 .LBB2_15-.Ltmp7, $2  }
0x275: {  	_ =	sdelay $0x2  }
0x276: {  	s1 =	sshra.s32 s0, $0x2;
	s0 =	sadd.s32 $0x40, s0;
	[tilespmem:v7+s9+$0x0] =	vst.idx.add.s32.msk vm0, v3  }
0x277: {  	v7 =	vld [tilespmem:s1+$0x1000];
	_ =	sdelay $0x4  }
0x278: {  	v8 =	vshrl.u32 v7, $0x8  }
0x279: {  	vm0 =	veq.s32 v8, v6  }
0x27a: {  	v6 =	vand.u32 $0xFF, v7;
	_ =	sdelay $0x4  }
0x27b: {  	s18 =	simm.s32 $0x20F0;
	[tilespmem:v6+s9+$0x0] =	vst.idx.add.s32.msk vm0, v3  }
0x27c: {  	v7 =	vld [tilespmem:s18+$0x0];
	_ =	sdelay $0x4  }
0x27d: {  	(xrf0) =	vadd.scan.msk.s32 $0xffff, v7;
	_ =	sdelay $0x1  }
0x27e: {  	s19 =	simm.s32 $0x20E0  }
0x27f: {  	v8 =	vld [tilespmem:s19+$0x0]  }
0x280: {  	v10 =	vperm.xlane v7, v4;
	_ =	sdelay $0x1  }
0x281: {  	(xrf0) =	vadd.scan.msk.s32 $0xffff, v10;
	v7, _, _ =	vpop (xrf0)  }
0x282: {  	(v2sf) =	vpush v7, $0xF  }
0x283: {  	(xrf0) =	vadd.scan.msk.s32 $0xffff, v8;
	_ =	sdelay $0x1  }
0x284: {  	s20 =	simm.s32 $0x20D0  }
0x285: {  	s0 =	rddreg [dreg:$0x9];
	v7 =	vld [tilespmem:s20+$0x0]  }
0x286: {  	s12 =	simm.s32 $0x0;
	s0 =	ssub.s32 s0, s13;
	v11, _, _ =	vpop (xrf0)  }
0x287: {  	v6 =	vmov s0;
	v9 =	vperm.xlane v8, v4;
	v11 =	vadd.s32 s12, v11  }
0x288: {  	v8, _, _ =	vpop (xrf0);
	vm0 =	vge.s32 v11, v6  }
0x289: {  	(xrf0) =	vadd.scan.msk.s32 $0xffff, v9;
	(v2sf) =	vpush v8, $0xF;
	v8 =	vmpcnt.ones.xlane vm0  }
0x28a: {  	v12 =	vmctz.xlane vm0;
	(xrf0) =	vadd.scan.msk.s32 $0xffff, v7  }
0x28b: {  	v8 =	vxor.u32 $0x80000000, v8  }
0x28c: {  	v12 =	vxor.u32 $0x80000000, v12;
	(xrf0) =	vmax.scan.msk.u32 $0xffff, v8  }
0x28d: {  	(xrf0) =	vmax.scan.msk.u32 $0xffff, v12  }
0x28e: {  	s21 =	simm.s32 $0x20C0  }
0x28f: {  	v12 =	vld [tilespmem:s21+$0x0];
	v8, _, _ =	vpop (xrf0)  }
0x290: {  	v13, _, _ =	vpop (xrf0);
	s22 =	spop (v2sf)  }
0x291: {  	[dreg:$0xa] =	wrdreg s0;
	v7 =	vperm.xlane v7, v4;
	(v2sf) =	vpush v13, $0xF;
	s0 =	sadd.s32 $0x0, s22  }
0x292: {  	v13 =	vadd.s32 s0, v8;
	v8, _, _ =	vpop (xrf0)  }
0x293: {  	(xrf0) =	vadd.scan.msk.s32 $0xffff, v7;
	vm0 =	vge.s32 v13, v6;
	(v2sf) =	vpush v8, $0xF;
	v8, _, _ =	vpop (xrf0)  }
0x294: {  	(xrf0) =	vadd.scan.msk.s32 $0xffff, v12;
	v14 =	vmpcnt.ones.xlane vm0;
	(v2sf) =	vpush v8, $0xF;
	_ =	sdelay $0x1  }
0x295: {  	s23 =	simm.s32 $0x20B0;
	v8 =	vmctz.xlane vm0;
	v14 =	vxor.u32 $0x80000000, v14  }
0x296: {  	v15 =	vld [tilespmem:s23+$0x0]  }
0x297: {  	s24 =	spop (v2sf);
	v8 =	vxor.u32 $0x80000000, v8;
	(xrf0) =	vmax.scan.msk.u32 $0xffff, v14  }
0x298: {  	s0 =	sadd.s32 s0, s24;
	(xrf0) =	vmax.scan.msk.u32 $0xffff, v8;
	v8 =	vperm.xlane v12, v4;
	v14, _, _ =	vpop (xrf0)  }
0x299: {  	v12 =	vadd.s32 s0, v14;
	v14, _, _ =	vpop (xrf0)  }
0x29a: {  	(xrf0) =	vadd.scan.msk.s32 $0xffff, v8;
	vm0 =	vge.s32 v12, v6;
	(v2sf) =	vpush v14, $0xF  }
0x29b: {  	(xrf0) =	vadd.scan.msk.s32 $0xffff, v15;
	v14 =	vmpcnt.ones.xlane vm0;
	v16 =	vmctz.xlane vm0;
	_ =	sdelay $0x1  }
0x29c: {  	v17, _, _ =	vpop (xrf0);
	v14 =	vxor.u32 $0x80000000, v14;
	v16 =	vxor.u32 $0x80000000, v16  }
0x29d: {  	s25 =	simm.s32 $0x20A0;
	(v2sf) =	vpush v17, $0xF;
	v17, _, _ =	vpop (xrf0);
	(xrf0) =	vmax.scan.msk.u32 $0xffff, v14  }
0x29e: {  	s26 =	spop (v2sf);
	(v2sf) =	vpush v17, $0xF;
	v14 =	vld [tilespmem:s25+$0x0];
	(xrf0) =	vmax.scan.msk.u32 $0xffff, v16  }
0x29f: {  	s0 =	sadd.s32 s0, s26;
	v16, _, _ =	vpop (xrf0)  }
0x2a0: {  	v17 =	vperm.xlane v15, v4;
	v15, _, _ =	vpop (xrf0);
	v16 =	vadd.s32 s0, v16;
	s28 =	spop (v2sf)  }
0x2a1: {  	(v2sf) =	vpush v15, $0xF;
	vm0 =	vge.s32 v16, v6;
	s2 =	spop (v2sf)  }
0x2a2: {  	(xrf0) =	vadd.scan.msk.s32 $0xffff, v17;
	v15 =	vmpcnt.ones.xlane vm0;
	s3 =	sxor.u32 $0x80000000, s2  }
0x2a3: {  	v11 =	vxor.u32 $0x80000000, v11;
	v18 =	vmctz.xlane vm0;
	(xrf0) =	vadd.scan.msk.s32 $0xffff, v14;
	v19, _, _ =	vpop (xrf0);
	v20 =	vmov s3  }
0x2a4: {  	(v2sf) =	vpush v19, $0xF;
	v19, _, _ =	vpop (xrf0);
	v15 =	vxor.u32 $0x80000000, v15;
	vm0 =	veq.s32 v20, v0  }
0x2a5: {  	v18 =	vxor.u32 $0x80000000, v18;
	(v2sf) =	vpush v19, $0xF;
	(xrf0) =	vmax.scan.msk.u32 $0xffff, v15;
	v11 =	vnsel vm0, $0x0, v11  }
0x2a6: {  	v10 =	vxor.u32 $0x80000000, v10;
	(xrf0) =	vmax.scan.msk.u32 $0xffff, v18  }
0x2a7: {  	v10 =	vnsel vm0, $0x0, v10;
	(xrf0) =	vmax.scan.msk.u32 $0xffff, v11  }
0x2a8: {  	v11, _, _ =	vpop (xrf0);
	(xrf0) =	vmax.scan.msk.u32 $0xffff, v10;
	s4 =	spop (v2sf)  }
0x2a9: {  	s29 =	simm.s32 $0x2090;
	v10 =	vperm.xlane v14, v4;
	v14, _, _ =	vpop (xrf0);
	s0 =	sadd.s32 s0, s4  }
0x2aa: {  	v15 =	vld [tilespmem:s29+$0x0];
	(v2sf) =	vpush v14, $0xF;
	v14 =	vadd.s32 s0, v11  }
0x2ab: {  	(xrf0) =	vadd.scan.msk.s32 $0xffff, v10;
	v11, _, _ =	vpop (xrf0);
	vm0 =	vge.s32 v14, v6  }
0x2ac: {  	s30 =	spop (v2sf);
	(v2sf) =	vpush v11, $0xF;
	v11, _, _ =	vpop (xrf0);
	v18 =	vmpcnt.ones.xlane vm0  }
0x2ad: {  	s31 =	spop (v2sf);
	(v2sf) =	vpush v11, $0xF;
	v11, _, _ =	vpop (xrf0)  }
0x2ae: {  	v19 =	vmctz.xlane vm0;
	s6 =	sxor.u32 $0x80000000, s31;
	(v2sf) =	vpush v11, $0xF;
	v11, _, _ =	vpop (xrf0);
	v18 =	vxor.u32 $0x80000000, v18  }
0x2af: {  	s15 =	simm.s32 $0x8000008F;
	p0 =	por $0x1, $0x1;
	(xrf0) =	vadd.scan.msk.s32 $0xffff, v15;
	v20 =	vmov s6;
	(v2sf) =	vpush v11, $0xF  }
0x2b0: {  	s17 =	simm.s32 $0x8000007F;
	s7 =	simm.s32 $0x2080;
	v11 =	vxor.u32 $0x80000000, v13;
	v13 =	vxor.u32 $0x80000000, v19;
	(xrf0) =	vmax.scan.msk.u32 $0xffff, v18;
	vm0 =	veq.s32 v20, v0;
	s5 =	spop (v2sf)  }
0x2b1: {  	s16 =	simm.s32 $0x0;
	s23 =	simm.s32 $0x800000BF;
	v9 =	vxor.u32 $0x80000000, v9;
	(xrf0) =	vmax.scan.msk.u32 $0xffff, v13;
	v11 =	vnsel vm0, $0x0, v11;
	v13 =	vld [tilespmem:s7+$0x0];
	v18, _, _ =	vpop (xrf0);
	s0 =	sadd.s32 s0, s5  }
0x2b2: {  	s13 =	simm.s32 $0x0;
	s19 =	simm.s32 $0x8000009F;
	p1 =	sgt.u32 s28, $0x80000000;
	v9 =	vnsel vm0, $0x0, v9;
	(xrf0) =	vmax.scan.msk.u32 $0xffff, v11;
	v18 =	vadd.s32 s0, v18  }
0x2b3: {  	s18 =	simm.s32 $0x8000006F;
	p0 =	por !p0, !p1;
	v19 =	vperm.xlane v15, v4;
	(xrf0) =	vmax.scan.msk.u32 $0xffff, v9;
	s8 =	spop (v2sf);
	vm0 =	vge.s32 v18, v6  }
0x2b4: {  	s20 =	simm.s32 $0x8000005F;
	p1 =	por !p0, !p0;
	s10 =	spop (v2sf);
	v9 =	vmpcnt.ones.xlane vm0  }
0x2b5: {  	s21 =	simm.s32 $0x8000004F;
	s16 =	simm.s32 @p1 $0x1;
	v20 =	vxor.u32 $0x80000000, v12;
	(xrf0) =	vadd.scan.msk.s32 $0xffff, v19;
	v11, _, _ =	vpop (xrf0);
	v12 =	vmctz.xlane vm0;
	s11 =	sxor.u32 $0x80000000, s10  }
0x2b6: {  	s22 =	simm.s32 $0x800000AF;
	p4 =	seq.s32 s16, $0x0;
	p2 =	sgt.u32 s30, $0x80000000;
	(v2sf) =	vpush v11, $0xF;
	v21, _, _ =	vpop (xrf0);
	(xrf0) =	vadd.scan.msk.s32 $0xffff, v13;
	v15 =	vmov s11;
	v9 =	vxor.u32 $0x80000000, v9  }
0x2b7: {  	s24 =	simm.s32 $0x2070;
	s2 =	ssub.s32 $0x800000FF, s2;
	p0 =	por !p4, !p2;
	v11 =	vxor.u32 $0x80000000, v8;
	v22, _, _ =	vpop (xrf0);
	v8 =	vxor.u32 $0x80000000, v12;
	(xrf0) =	vmax.scan.msk.u32 $0xffff, v9;
	vm0 =	veq.s32 v15, v0  }
0x2b8: {  	s13 =	smov.u32 @p1 s2;
	p1 =	por p1, p1;
	p0 =	por !p0, !p0;
	v23, _, _ =	vpop (xrf0);
	(xrf0) =	vmax.scan.msk.u32 $0xffff, v8;
	v8 =	vnsel vm0, $0x0, v20  }
0x2b9: {  	v7 =	vxor.u32 $0x80000000, v7;
	p1 =	por p1, p1;
	s1 =	ssub.s32 $0x800000EF, s31;
	s16 =	simm.s32 @p0 $0x1;
	v12 =	vxor.u32 $0x80000000, v17;
	(v2sf) =	vpush v21, $0xF;
	v17, _, _ =	vpop (xrf0);
	(xrf0) =	vmax.scan.msk.u32 $0xffff, v8  }
0x2ba: {  	s13 =	smov.u32 @p0 s1;
	p0 =	por p0, p0;
	v15 =	vxor.u32 $0x80000000, v16;
	v9 =	vxor.u32 $0x80000000, v10;
	(v2sf) =	vpush v22, $0xF;
	s14 =	spop (v2sf)  }
0x2bb: {  	p5 =	seq.s32 s16, $0x0;
	p3 =	sgt.u32 s8, $0x80000000;
	v10 =	vxor.u32 $0x80000000, v18;
	v7 =	vnsel vm0, $0x0, v7;
	v18, _, _ =	vpop (xrf0);
	(v2sf) =	vpush v23, $0xF;
	s26 =	sadd.s32 s0, s14  }
0x2bc: {  	p2 =	por !p5, !p3;
	s1 =	ssub.s32 $0x800000DF, s10;
	(xrf0) =	vmax.scan.msk.u32 $0xffff, v7;
	v7 =	vadd.s32 s26, v18;
	s25 =	spop (v2sf);
	(v2sf) =	vpush v17, $0xF;
	v17 =	vperm.xlane v13, v4;
	v13, _, _ =	vpop (xrf0)  }
0x2bd: {  	p3 =	por !p2, !p2;
	p2 =	por p1, p1;
	v16 =	vld [tilespmem:s24+$0x0];
	v8 =	vxor.u32 $0x80000000, v19;
	vm0 =	vge.s32 v7, v6;
	s28 =	spop (v2sf);
	(v2sf) =	vpush v13, $0xF;
	v19, _, _ =	vpop (xrf0)  }
0x2be: {  	p1 =	por p0, p0;
	s16 =	simm.s32 @p3 $0x1;
	v18 =	vmpcnt.ones.xlane vm0;
	s30 =	spop (v2sf);
	(v2sf) =	vpush v19, $0xF;
	v19, _, _ =	vpop (xrf0)  }
0x2bf: {  	s13 =	smov.u32 @p3 s1;
	p0 =	por p3, p3;
	s31 =	spop (v2sf);
	(v2sf) =	vpush v19, $0xF;
	v19, _, _ =	vpop (xrf0)  }
0x2c0: {  	p6 =	seq.s32 s16, $0x0;
	s0 =	simm.s32 $0x8000003F;
	p4 =	sgt.u32 s25, $0x80000000;
	v18 =	vxor.u32 $0x80000000, v18;
	(v2sf) =	vpush v19, $0xF  }
0x2c1: {  	v13 =	vxor.u32 $0x80000000, v7;
	s29 =	sxor.u32 $0x80000000, s28;
	p3 =	por !p6, !p4;
	v7 =	vxor.u32 $0x80000000, v17;
	(xrf0) =	vadd.scan.msk.s32 $0xffff, v17;
	v17 =	vmctz.xlane vm0;
	s1 =	ssub.s32 $0x800000CF, s28  }
0x2c2: {  	p3 =	por !p3, !p3;
	s2 =	sxor.u32 $0x80000000, s30;
	(xrf0) =	vadd.scan.msk.s32 $0xffff, v16;
	v20 =	vmov s29;
	s3 =	sxor.u32 $0x80000000, s31  }
0x2c3: {  	v14 =	vxor.u32 $0x80000000, v14;
	s16 =	simm.s32 @p3 $0x1;
	v17 =	vxor.u32 $0x80000000, v17;
	vm0 =	veq.s32 v20, v0;
	s13 =	smov.u32 @p3 s1;
	(xrf0) =	vmax.scan.msk.u32 $0xffff, v18;
	s25 =	ssub.s32 s2, s3;
	v18, _, _ =	vpop (xrf0)  }
.LBB2_17:
0x2c4: {  	p4 =	sne.s32 s0, $0x8000000F  }
0x2c5: {  	s24 =	sadd.s32 $0xFFFFFFF0, s24;
	s12 =	smov.u32 @p2 s25;
	s1 =	smov.u32 s23  }
0x2c6: {  	(xrf0) =	vmax.scan.msk.u32 $0xffff, v17;
	v17 =	vnsel vm0, $0x0, v15;
	v19 =	vnsel vm0, $0x0, v11;
	(v2sf) =	vpush v18, $0xF;
	v15 =	vmovc v14;
	s23 =	smov.u32 s22;
	s22 =	smov.u32 s19;
	p2 =	por p1, p1  }
0x2c7: {  	v14 =	vmovc v10;
	v10 =	vmovc v13;
	v11 =	vmov v12;
	v12 =	vmov v9;
	v9 =	vmov v8;
	p1 =	por p0, p0;
	p0 =	por p3, p3;
	s19 =	smov.u32 s15  }
0x2c8: {  	v8 =	vmov v7;
	s15 =	smov.u32 s17;
	s17 =	smov.u32 s18;
	v18 =	vld [tilespmem:s24+$0x0];
	s2 =	spop (v2sf);
	(xrf0) =	vmax.scan.msk.u32 $0xffff, v17  }
0x2c9: {  	s18 =	smov.u32 s20;
	s20 =	smov.u32 s21;
	v7, _, _ =	vpop (xrf0);
	s26 =	sadd.s32 s26, s2;
	(xrf0) =	vmax.scan.msk.u32 $0xffff, v19  }
0x2ca: {  	s21 =	smov.u32 s0;
	p3 =	seq.s32 s16, $0x0;
	v19 =	vperm.xlane v16, v4;
	v13, _, _ =	vpop (xrf0);
	v7 =	vadd.s32 s26, v7;
	s2 =	spop (v2sf)  }
.Ltmp8:
0x2cb: {  	(v2sf) =	vpush v13, $0xF;
	vm0 =	vge.s32 v7, v6;
	v13 =	vxor.u32 $0x80000000, v7;
	p5 =	sgt.u32 s2, $0x80000000;
	s2 =	spop (v2sf);
	(pc) =	sbr.rel @p4 .LBB2_17-.Ltmp8, $4  }
0x2cc: {  	v7 =	vxor.u32 $0x80000000, v19;
	(xrf0) =	vadd.scan.msk.s32 $0xffff, v19;
	v17 =	vmpcnt.ones.xlane vm0;
	v22 =	vmctz.xlane vm0;
	v16, _, _ =	vpop (xrf0);
	s3 =	sxor.u32 $0x80000000, s2;
	p3 =	por !p3, !p5;
	s4 =	spop (v2sf)  }
0x2cd: {  	(xrf0) =	vadd.scan.msk.s32 $0xffff, v18;
	(v2sf) =	vpush v16, $0xF;
	v20, _, _ =	vpop (xrf0);
	v21 =	vmov s3;
	p3 =	por !p3, !p3;
	s3 =	sxor.u32 $0x80000000, s4;
	s4 =	spop (v2sf);
	v16 =	vmov v18  }
0x2ce: {  	s1 =	ssub.s32 s1, s2;
	v23 =	vxor.u32 $0x80000000, v17;
	v17 =	vxor.u32 $0x80000000, v22;
	(v2sf) =	vpush v20, $0xF;
	s16 =	simm.s32 @p3 $0x1;
	v19, _, _ =	vpop (xrf0);
	s2 =	sxor.u32 $0x80000000, s4  }
0x2cf: {  	s0 =	sadd.s32 $0xFFFFFFF0, s0;
	vm0 =	veq.s32 v21, v0;
	s13 =	smov.u32 @p3 s1;
	(xrf0) =	vmax.scan.msk.u32 $0xffff, v23;
	(v2sf) =	vpush v19, $0xF;
	v18, _, _ =	vpop (xrf0);
	s25 =	ssub.s32 s3, s2  }
0x2d0: {  	_ =	sdelay $0x1  }
0x2d1: {  	s0 =	sadd.s32 $0xFFFFFFF0, s24;
	(xrf0) =	vmax.scan.msk.u32 $0xffff, v17;
	s1 =	spop (v2sf);
	v17 =	vnsel vm0, $0x0, v15;
	v15, _, _ =	vpop (xrf0)  }
0x2d2: {  	(v2sf) =	vpush v18, $0xF;
	v19 =	vld [tilespmem:s0+$0x0];
	s2 =	sadd.s32 s26, s1;
	s1 =	spop (v2sf);
	v18, _, _ =	vpop (xrf0)  }
0x2d3: {  	s31 =	spop (v2sf);
	v15 =	vadd.s32 s2, v15;
	(v2sf) =	vpush v18, $0xF  }
0x2d4: {  	v20 =	vnsel vm0, $0x0, v11;
	v11 =	vperm.xlane v16, v4;
	(xrf0) =	vmax.scan.msk.u32 $0xffff, v17;
	s3 =	sxor.u32 $0x80000000, s31;
	vm0 =	vge.s32 v15, v6  }
0x2d5: {  	(xrf0) =	vmax.scan.msk.u32 $0xffff, v20;
	v20 =	vmov s3;
	v16 =	vmpcnt.ones.xlane vm0;
	v17 =	vmctz.xlane vm0  }
0x2d6: {  	(xrf0) =	vadd.scan.msk.s32 $0xffff, v11;
	v18, _, _ =	vpop (xrf0);
	vm0 =	veq.s32 v20, v0  }
0x2d7: {  	s4 =	sadd.s32 $0xFFFFFFF0, s0;
	(xrf0) =	vadd.scan.msk.s32 $0xffff, v19;
	(v2sf) =	vpush v18, $0xF;
	v18, _, _ =	vpop (xrf0);
	v16 =	vxor.u32 $0x80000000, v16;
	v17 =	vxor.u32 $0x80000000, v17  }
0x2d8: {  	v14 =	vnsel vm0, $0x0, v14;
	(v2sf) =	vpush v18, $0xF;
	(xrf0) =	vmax.scan.msk.u32 $0xffff, v16;
	v16 =	vld [tilespmem:s4+$0x0]  }
0x2d9: {  	v18 =	vnsel vm0, $0x0, v12;
	(xrf0) =	vmax.scan.msk.u32 $0xffff, v17  }
0x2da: {  	s6 =	spop (v2sf);
	v12 =	vperm.xlane v19, v4;
	v17, _, _ =	vpop (xrf0);
	(xrf0) =	vmax.scan.msk.u32 $0xffff, v14  }
0x2db: {  	s7 =	spop (v2sf);
	v14, _, _ =	vpop (xrf0);
	(xrf0) =	vmax.scan.msk.u32 $0xffff, v18  }
0x2dc: {  	s11 =	spop (v2sf);
	v18, _, _ =	vpop (xrf0);
	(xrf0) =	vadd.scan.msk.s32 $0xffff, v12  }
0x2dd: {  	(v2sf) =	vpush v17, $0xF;
	s5 =	sadd.s32 s2, s11;
	v17, _, _ =	vpop (xrf0);
	(xrf0) =	vadd.scan.msk.s32 $0xffff, v16  }
0x2de: {  	(v2sf) =	vpush v14, $0xF;
	s3 =	spop (v2sf);
	v14 =	vadd.s32 s5, v18;
	v19, _, _ =	vpop (xrf0)  }
0x2df: {  	s29 =	spop (v2sf);
	(v2sf) =	vpush v17, $0xF;
	vm0 =	vge.s32 v14, v6;
	v17, _, _ =	vpop (xrf0)  }
0x2e0: {  	s14 =	spop (v2sf);
	s8 =	sxor.u32 $0x80000000, s29;
	(v2sf) =	vpush v19, $0xF;
	v19 =	vmpcnt.ones.xlane vm0;
	v18, _, _ =	vpop (xrf0)  }
0x2e1: {  	v20 =	vmctz.xlane vm0;
	s2 =	spop (v2sf);
	v21 =	vmov s8;
	(v2sf) =	vpush v17, $0xF;
	v17, _, _ =	vpop (xrf0)  }
0x2e2: {  	vm0 =	veq.s32 v21, v0;
	(v2sf) =	vpush v18, $0xF;
	v18, _, _ =	vpop (xrf0);
	s24 =	spop (v2sf)  }
0x2e3: {  	s4 =	sadd.s32 $0xFFFFFFF0, s4;
	v19 =	vxor.u32 $0x80000000, v19;
	v20 =	vxor.u32 $0x80000000, v20;
	(v2sf) =	vpush v17, $0xF;
	v17, _, _ =	vpop (xrf0);
	s26 =	sadd.s32 s5, s24  }
0x2e4: {  	(xrf0) =	vmax.scan.msk.u32 $0xffff, v19;
	v19 =	vld [tilespmem:s4+$0x0];
	(v2sf) =	vpush v17, $0xF;
	v17 =	vnsel vm0, $0x0, v10;
	v10 =	vadd.s32 s26, v18  }
0x2e5: {  	(xrf0) =	vmax.scan.msk.u32 $0xffff, v20;
	v18 =	vnsel vm0, $0x0, v9;
	vm0 =	vge.s32 v10, v6  }
0x2e6: {  	(xrf0) =	vmax.scan.msk.u32 $0xffff, v17;
	v9 =	vperm.xlane v16, v4;
	s8 =	spop (v2sf);
	v16 =	vmpcnt.ones.xlane vm0  }
0x2e7: {  	(xrf0) =	vmax.scan.msk.u32 $0xffff, v18;
	s28 =	spop (v2sf);
	v17 =	vmctz.xlane vm0  }
0x2e8: {  	(xrf0) =	vadd.scan.msk.s32 $0xffff, v9;
	s30 =	sxor.u32 $0x80000000, s28;
	v16 =	vxor.u32 $0x80000000, v16  }
0x2e9: {  	(xrf0) =	vadd.scan.msk.s32 $0xffff, v19;
	v18 =	vmov s30;
	v17 =	vxor.u32 $0x80000000, v17  }
0x2ea: {  	v20, _, _ =	vpop (xrf0);
	vm0 =	veq.s32 v18, v0;
	(xrf0) =	vmax.scan.msk.u32 $0xffff, v16  }
0x2eb: {  	v13 =	vnsel vm0, $0x0, v13;
	v16, _, _ =	vpop (xrf0);
	(xrf0) =	vmax.scan.msk.u32 $0xffff, v17  }
0x2ec: {  	s4 =	spop (v2sf);
	v18 =	vnsel vm0, $0x0, v8;
	v8 =	vperm.xlane v19, v4;
	v17, _, _ =	vpop (xrf0);
	(xrf0) =	vmax.scan.msk.u32 $0xffff, v13  }
0x2ed: {  	s5 =	spop (v2sf);
	v19, _, _ =	vpop (xrf0);
	(xrf0) =	vmax.scan.msk.u32 $0xffff, v18  }
0x2ee: {  	s0 =	spop (v2sf);
	v13, _, _ =	vpop (xrf0);
	(xrf0) =	vadd.scan.msk.s32 $0xffff, v8  }
0x2ef: {  	s10 =	spop (v2sf);
	v18, _, _ =	vpop (xrf0)  }
0x2f0: {  	(v2sf) =	vpush v20, $0xF;
	s11 =	sadd.s32 s26, s0;
	s30 =	spop (v2sf);
	v20, _, _ =	vpop (xrf0)  }
0x2f1: {  	(v2sf) =	vpush v16, $0xF;
	v13 =	vadd.s32 s11, v13;
	s24 =	spop (v2sf);
	v21, _, _ =	vpop (xrf0)  }
0x2f2: {  	p5 =	seq.s32 s16, $0x0;
	p4 =	sgt.u32 s1, $0x80000000;
	(v2sf) =	vpush v17, $0xF;
	vm0 =	vge.s32 v13, v6;
	s26 =	spop (v2sf);
	v17, _, _ =	vpop (xrf0)  }
0x2f3: {  	[dreg:$0xf] =	wrdreg s14;
	s14 =	sxor.u32 $0x80000000, s30;
	(v2sf) =	vpush v19, $0xF;
	v19 =	vmpcnt.ones.xlane vm0;
	s0 =	spop (v2sf);
	v22, _, _ =	vpop (xrf0)  }
0x2f4: {  	p4 =	por !p5, !p4;
	v23 =	vmov s14;
	(v2sf) =	vpush v18, $0xF;
	v18 =	vmctz.xlane vm0;
	s0 =	sadd.s32 s11, s0;
	v16, _, _ =	vpop (xrf0)  }
0x2f5: {  	p4 =	por !p4, !p4;
	vm0 =	veq.s32 v23, v0;
	v19 =	vxor.u32 $0x80000000, v19;
	v16 =	vadd.s32 s0, v16  }
0x2f6: {  	s16 =	simm.s32 @p4 $0x1;
	(xrf0) =	vmax.scan.msk.u32 $0xffff, v19;
	vm1 =	vge.s32 v16, v6;
	v6 =	vxor.u32 $0x80000000, v15;
	v15 =	vxor.u32 $0x80000000, v18  }
0x2f7: {  	p6 =	seq.s32 s16, $0x0;
	p5 =	sgt.u32 s3, $0x80000000;
	(xrf0) =	vmax.scan.msk.u32 $0xffff, v15;
	v6 =	vnsel vm0, $0x0, v6  }
0x2f8: {  	s12 =	smov.u32 @p2 s25;
	s1 =	simm.s32 @!p4 $0x0;
	p2 =	por !p6, !p5;
	v15 =	vmpcnt.ones.xlane vm1;
	(xrf0) =	vmax.scan.msk.u32 $0xffff, v6;
	v6 =	vmctz.xlane vm1  }
0x2f9: {  	p1 =	por p1, p1;
	s1 =	simm.s32 @p4 $0x1;
	p2 =	por !p2, !p2;
	v7 =	vnsel vm0, $0x0, v7  }
0x2fa: {  	p0 =	por p0, p0;
	[smem:$0x7FA] =	sst s1;
	s1 =	simm.s32 @!p2 $0x0;
	(v2sf) =	vpush v20, $0xF;
	(xrf0) =	vmax.scan.msk.u32 $0xffff, v7;
	v7 =	vxor.u32 $0x80000000, v15;
	v6 =	vxor.u32 $0x80000000, v6  }
0x2fb: {  	p0 =	por p0, p0;
	s16 =	simm.s32 @p2 $0x1;
	s1 =	simm.s32 @p2 $0x1;
	(v2sf) =	vpush v21, $0xF;
	(xrf0) =	vmax.scan.msk.u32 $0xffff, v7  }
0x2fc: {  	s2 =	sxor.u32 $0x80000000, s2;
	[smem:$0x7FB] =	sst s1;
	p6 =	sgt.u32 s8, $0x80000000;
	(v2sf) =	vpush v17, $0xF;
	(xrf0) =	vmax.scan.msk.u32 $0xffff, v6  }
0x2fd: {  	s19 =	ssub.s32 s19, s28;
	s14 =	sxor.u32 $0x80000000, s7;
	s11 =	sxor.u32 $0x80000000, s6;
	(v2sf) =	vpush v22, $0xF;
	v6, _, _ =	vpop (xrf0)  }
0x2fe: {  	s28 =	sld [smem:$0x7FB];
	s4 =	sxor.u32 $0x80000000, s4;
	s3 =	ssub.s32 s11, s14;
	(v2sf) =	vpush v6, $0xF;
	v6, _, _ =	vpop (xrf0)  }
0x2ff: {  	s5 =	sxor.u32 $0x80000000, s5;
	s0 =	ssub.s32 s23, s31;
	s12 =	smov.u32 @p1 s3;
	(v2sf) =	vpush v6, $0xF;
	v6, _, _ =	vpop (xrf0)  }
0x300: {  	s3 =	rddreg [dreg:$0xf];
	s13 =	smov.u32 @p4 s0;
	s23 =	spop (v2sf);
	(v2sf) =	vpush v6, $0xF;
	v6, _, _ =	vpop (xrf0)  }
0x301: {  	p4 =	seq.s32 s16, $0x0;
	s3 =	sxor.u32 $0x80000000, s3;
	s7 =	spop (v2sf);
	(v2sf) =	vpush v6, $0xF;
	v6, _, _ =	vpop (xrf0)  }
0x302: {  	p4 =	por !p4, !p6;
	p6 =	sgt.u32 s10, $0x80000000;
	s1 =	spop (v2sf);
	(v2sf) =	vpush v6, $0xF;
	v6, _, _ =	vpop (xrf0)  }
0x303: {  	s2 =	ssub.s32 s3, s2;
	p4 =	por !p4, !p4;
	s6 =	spop (v2sf);
	(v2sf) =	vpush v6, $0xF  }
0x304: {  	s10 =	ssub.s32 s4, s5;
	s16 =	simm.s32 @p4 $0x1;
	s8 =	simm.s32 @!p4 $0x0  }
0x305: {  	s12 =	smov.u32 @p0 s2;
	s8 =	simm.s32 @p4 $0x1;
	p5 =	seq.s32 s16, $0x0  }
0x306: {  	[smem:$0x7FC] =	sst s8;
	s8 =	ssub.s32 s22, s29;
	p1 =	por !p5, !p6  }
0x307: {  	p5 =	por p3, p3;
	s13 =	smov.u32 @p2 s8;
	p2 =	por !p1, !p1  }
0x308: {  	p1 =	sgt.u32 s23, $0x80000000;
	s11 =	sxor.u32 $0x80000000, s7;
	s25 =	spop (v2sf)  }
0x309: {  	s7 =	ssub.s32 s17, s7;
	s16 =	simm.s32 @p2 $0x1;
	s31 =	spop (v2sf)  }
0x30a: {  	s2 =	simm.s32 @!p2 $0x0;
	s13 =	smov.u32 @p4 s19;
	s8 =	spop (v2sf)  }
0x30b: {  	s2 =	simm.s32 @p2 $0x1;
	p6 =	seq.s32 s16, $0x0;
	s0 =	spop (v2sf)  }
0x30c: {  	[smem:$0x7FD] =	sst s2;
	p0 =	por !p6, !p1;
	v6 =	vmov s11;
	s2 =	spop (v2sf)  }
0x30d: {  	v7 =	vxor.u32 $0x80000000, v14;
	s1 =	sxor.u32 $0x80000000, s1;
	p3 =	por !p0, !p0;
	vm0 =	veq.s32 v6, v0;
	s14 =	spop (v2sf)  }
0x30e: {  	s16 =	simm.s32 @p3 $0x1;
	p6 =	sgt.u32 s31, $0x80000000;
	v6 =	vxor.u32 $0x80000000, v11;
	v7 =	vnsel vm0, $0x0, v7;
	s22 =	spop (v2sf)  }
0x30f: {  	p1 =	seq.s32 s16, $0x0;
	s23 =	sxor.u32 $0x80000000, s8;
	v6 =	vnsel vm0, $0x0, v6;
	(xrf0) =	vmax.scan.msk.u32 $0xffff, v7;
	s3 =	spop (v2sf)  }
0x310: {  	s6 =	sxor.u32 $0x80000000, s6;
	p0 =	por !p1, !p6;
	(xrf0) =	vmax.scan.msk.u32 $0xffff, v6;
	v6 =	vmov s23;
	s4 =	spop (v2sf)  }
0x311: {  	p6 =	por p5, p5;
	v7 =	vxor.u32 $0x80000000, v10;
	vm0 =	veq.s32 v6, v0;
	s29 =	sxor.u32 $0x80000000, s22;
	s25 =	spop (v2sf)  }
0x312: {  	p5 =	por !p0, !p0;
	p6 =	por p6, p6;
	v6 =	vxor.u32 $0x80000000, v12;
	v7 =	vnsel vm0, $0x0, v7;
	v10 =	vmov s29;
	s31 =	spop (v2sf)  }
0x313: {  	v11 =	vxor.u32 $0x80000000, v13;
	s16 =	simm.s32 @p5 $0x1;
	s12 =	smov.u32 @p6 s10;
	v6 =	vnsel vm0, $0x0, v6;
	(xrf0) =	vmax.scan.msk.u32 $0xffff, v7;
	vm0 =	veq.s32 v10, v0;
	s23 =	sxor.u32 $0x80000000, s31  }
0x314: {  	s10 =	ssub.s32 s15, s30;
	p0 =	seq.s32 s16, $0x0;
	(xrf0) =	vmax.scan.msk.u32 $0xffff, v6;
	v6 =	vxor.u32 $0x80000000, v9;
	p1 =	sgt.u32 s14, $0x80000000;
	v11 =	vnsel vm0, $0x0, v11;
	v7 =	vmov s23  }
0x315: {  	s15 =	simm.s32 $0x0;
	s13 =	smov.u32 @p2 s10;
	v9 =	vxor.u32 $0x80000000, v16;
	p0 =	por !p0, !p1;
	v6 =	vnsel vm0, $0x0, v6;
	(xrf0) =	vmax.scan.msk.u32 $0xffff, v11;
	vm0 =	veq.s32 v7, v0  }
0x316: {  	p6 =	por !p0, !p0;
	p2 =	sgt.u32 s25, $0x80000000;
	s25 =	sld [smem:$0x7FA];
	v10, _, _ =	vpop (xrf0);
	(xrf0) =	vmax.scan.msk.u32 $0xffff, v6;
	v6 =	vnsel vm0, $0x0, v9  }
0x317: {  	s13 =	smov.u32 @p3 s7;
	s7 =	ssub.s32 s18, s8;
	s16 =	simm.s32 @p6 $0x1;
	v7 =	vxor.u32 $0x80000000, v8  }
0x318: {  	s13 =	smov.u32 @p5 s7;
	s5 =	ssub.s32 s20, s22;
	p1 =	seq.s32 s16, $0x0;
	(v2sf) =	vpush v10, $0xF;
	v10, _, _ =	vpop (xrf0);
	v7 =	vnsel vm0, $0x0, v7;
	(xrf0) =	vmax.scan.msk.u32 $0xffff, v6  }
0x319: {  	s13 =	smov.u32 @p6 s5;
	p0 =	por !p1, !p2;
	p4 =	seq.s32 s25, $0x1;
	v6, _, _ =	vpop (xrf0);
	(xrf0) =	vmax.scan.msk.u32 $0xffff, v7  }
0x31a: {  	p2 =	seq.s32 s28, $0x1;
	s5 =	ssub.s32 s21, s31;
	(v2sf) =	vpush v10, $0xF;
	v10 =	vld [tilespmem:s15+$0x1000];
	p1 =	por p4, p4  }
0x31b: {  	p4 =	por p1, p1;
	p1 =	por p2, p2;
	p2 =	por !p0, !p0;
	(v2sf) =	vpush v6, $0xF;
	v6, _, _ =	vpop (xrf0)  }
0x31c: {  	s30 =	sxor.u32 $0x80000000, s26;
	s31 =	rddreg [dreg:$0xb];
	s13 =	smov.u32 @p2 s5;
	(v2sf) =	vpush v6, $0xF;
	v6, _, _ =	vpop (xrf0)  }
0x31d: {  	s8 =	sld [smem:$0x7FC];
	s29 =	sxor.u32 $0x80000000, s24;
	s5 =	sor.u32 s31, s13;
	(v2sf) =	vpush v6, $0xF;
	v6, _, _ =	vpop (xrf0)  }
0x31e: {  	s1 =	ssub.s32 s1, s6;
	s7 =	ssub.s32 s29, s30;
	p0 =	por p4, p4;
	v7 =	vmov s5;
	(v2sf) =	vpush v6, $0xF;
	v6, _, _ =	vpop (xrf0)  }
0x31f: {  	s0 =	sxor.u32 $0x80000000, s0;
	p1 =	por p1, p1;
	s12 =	smov.u32 @p0 s7;
	vm0 =	veq.s32 v10, v7;
	(v2sf) =	vpush v6, $0xF;
	v6, _, _ =	vpop (xrf0)  }
0x320: {  	p0 =	por p1, p1;
	p1 =	seq.s32 s8, $0x1;
	s13 =	simm.s32 $0x10;
	(v2sf) =	vpush v6, $0xF;
	v6 =	vsel vm0, $0x1, v1  }
0x321: {  	s10 =	sxor.u32 $0x80000000, s2;
	s12 =	smov.u32 @p0 s1;
	p0 =	por p1, p1;
	v11 =	vld [tilespmem:s13+$0x1000];
	(xrf0) =	vadd.scan.msk.s32 $0xffff, v6  }
0x322: {  	s0 =	ssub.s32 s0, s10;
	p0 =	por p0, p0  }
0x323: {  	s14 =	sxor.u32 $0x80000000, s3;
	s16 =	sxor.u32 $0x80000000, s4;
	p0 =	por p0, p0  }
0x324: {  	s12 =	smov.u32 @p0 s0;
	s0 =	ssub.s32 s14, s16;
	s14 =	simm.s32 $0x20  }
0x325: {  	v12 =	vld [tilespmem:s14+$0x1000]  }
0x326: {  	vm1 =	veq.s32 v11, v7  }
0x327: {  	v6 =	vsel vm1, $0x1, v1;
	v17, _, _ =	vpop (xrf0)  }
0x328: {  	s16 =	simm.s32 $0x30;
	(xrf0) =	vadd.scan.msk.s32 $0xffff, v6;
	v6 =	vxor.u32 $0x80000000, v17  }
0x329: {  	v15 =	vld [tilespmem:s16+$0x1000];
	(xrf0) =	vmax.scan.msk.u32 $0xffff, v6  }
0x32a: {  	vm2 =	veq.s32 v12, v7  }
0x32b: {  	s11 =	sld [smem:$0x7FD];
	v6 =	vsel vm2, $0x1, v1  }
0x32c: {  	(xrf0) =	vadd.scan.msk.s32 $0xffff, v6;
	_ =	sdelay $0x1  }
0x32d: {  	p4 =	seq.s32 s11, $0x1;
	s17 =	spop (v2sf);
	vm3 =	veq.s32 v15, v7;
	v9, _, _ =	vpop (xrf0)  }
0x32e: {  	p1 =	por p4, p4;
	s18 =	spop (v2sf);
	v13 =	vsel vm3, $0x1, v1;
	v6, _, _ =	vpop (xrf0)  }
0x32f: {  	p1 =	por p1, p1;
	s20 =	spop (v2sf);
	(v2sf) =	vpush v6, $0xF;
	v6 =	vxor.u32 $0x80000000, v9  }
0x330: {  	s11 =	simm.s32 $0x50;
	p4 =	por p3, p3;
	p3 =	por p1, p1;
	(xrf0) =	vmax.scan.msk.u32 $0xffff, v6  }
0x331: {  	p1 =	por p4, p4;
	s19 =	sxor.u32 $0x80000000, s17;
	s17 =	simm.s32 $0x40;
	(xrf0) =	vadd.scan.msk.s32 $0xffff, v13;
	v13, _, _ =	vpop (xrf0)  }
0x332: {  	v19 =	vxor.u32 $0x80000000, v10;
	p4 =	por p5, p5;
	p5 =	por p6, p6;
	p6 =	por p2, p2;
	v18 =	vld [tilespmem:s17+$0x1000];
	v10 =	vxor.u32 $0x80000000, v13  }
0x333: {  	p0 =	por p1, p1;
	p1 =	por p4, p4;
	s1 =	sxor.u32 $0x80000000, s18;
	(xrf0) =	vmax.scan.msk.u32 $0xffff, v10  }
0x334: {  	s12 =	smov.u32 @p3 s0;
	p1 =	por p1, p1;
	s0 =	ssub.s32 s19, s1  }
0x335: {  	p3 =	por p5, p5;
	s12 =	smov.u32 @p0 s0;
	s21 =	spop (v2sf)  }
0x336: {  	v16 =	vxor.u32 $0x80000000, v11;
	s0 =	sxor.u32 $0x80000000, s20;
	s1 =	sxor.u32 $0x80000000, s21;
	s22 =	spop (v2sf)  }
0x337: {  	vm0 =	vmmov vm0;
	v14 =	vxor.u32 $0x80000000, v12;
	p0 =	por p6, p6;
	vm4 =	veq.s32 v18, v7;
	s0 =	ssub.s32 s0, s1;
	s23 =	spop (v2sf);
	v12, _, _ =	vpop (xrf0)  }
0x338: {  	vm0 =	vmmov vm0;
	v11 =	vxor.u32 $0x80000000, v15;
	s1 =	sxor.u32 $0x80000000, s22;
	s12 =	smov.u32 @p1 s0;
	s24 =	spop (v2sf);
	v10 =	vsel vm4, $0x1, v1;
	v15, _, _ =	vpop (xrf0)  }
0x339: {  	vm1 =	vmmov vm1;
	p1 =	por p3, p3;
	s0 =	sxor.u32 $0x80000000, s23;
	s25 =	spop (v2sf);
	(xrf0) =	vadd.scan.msk.s32 $0xffff, v10;
	v10 =	vxor.u32 $0x80000000, v18;
	(v2sf) =	vpush v12, $0xF;
	v18, _, _ =	vpop (xrf0)  }
0x33a: {  	vm0 =	vmmov vm0;
	vm1 =	vmmov vm1;
	s0 =	ssub.s32 s1, s0;
	s26 =	sxor.u32 $0x80000000, s24;
	s1 =	sxor.u32 $0x80000000, s25;
	(v2sf) =	vpush v18, $0xF  }
0x33b: {  	v20 =	vld [tilespmem:s11+$0x1000];
	vm0 =	vmmov vm0;
	vm1 =	vmmov vm1;
	vm3 =	vmmov vm3;
	p0 =	por p0, p0;
	s12 =	smov.u32 @p1 s0;
	s0 =	ssub.s32 s26, s1  }
0x33c: {  	s30 =	simm.s32 $0x0;
	s28 =	rddreg [dreg:$0xa];
	vm5 =	vmmov vm0;
	vm6 =	vmmov vm1;
	vm2 =	vmmov vm2;
	s12 =	smov.u32 @p0 s0  }
0x33d: {  	v17 =	vadd.s32 s30, v17;
	vm2 =	vmmov vm2;
	s0 =	ssub.s32 s28, s12;
	v12 =	vxor.u32 $0x80000000, v15  }
0x33e: {  	s29 =	sxor.u32 $0x80000000, s5;
	vm1 =	vmmov vm2;
	vm2 =	vmmov vm3;
	v8 =	vmov s0;
	(xrf0) =	vmax.scan.msk.u32 $0xffff, v12  }
0x33f: {  	vm0 =	vmmov vm4;
	v6 =	vmov s29;
	vm4 =	vle.s32 v17, v8  }
0x340: {  	vm3 =	veq.s32 v20, v7;
	vm7 =	vgt.s32 v19, v6;
	s12 =	simm.s32 $0x60;
	vm4 =	vmand vm5, vm4  }
0x341: {  	v19 =	vld [tilespmem:s12+$0x1000];
	vm4 =	vmor vm7, vm4;
	v12 =	vxor.u32 $0x80000000, v20;
	v18 =	vsel vm3, $0x1, v1;
	v17, _, _ =	vpop (xrf0);
	s31 =	spop (v2sf)  }
0x342: {  	s0 =	simm.s32 $0x1C0;
	(xrf0) =	vadd.scan.msk.s32 $0xffff, v18;
	v18 =	vsel vm4, $0x3F800000, v5;
	vm4 =	vmmov vm6;
	v20 =	vxor.u32 $0x80000000, v17;
	s1 =	sadd.s32 $0x0, s31  }
.LBB2_19:
0x343: {  	p0 =	sne.s32 s0, $0x3FC0;
	(xrf0) =	vmax.scan.msk.u32 $0xffff, v20;
	s1 =	sadd.s32 $0x80000000, s1;
	vm5 =	vmmov vm1;
	s2 =	smov.u32 s0  }
0x344: {  	v20, _, _ =	vpop (xrf0);
	[tilespmem:s15+$0x0] =	vst v18;
	vm1 =	vmmov vm2;
	vm2 =	vmmov vm0;
	vm0 =	vmmov vm3;
	s0 =	sadd.s32 $0x40, s0;
	s15 =	smov.u32 s13;
	s13 =	smov.u32 s14  }
.Ltmp9:
0x345: {  	s14 =	smov.u32 s16;
	s16 =	smov.u32 s17;
	(v2sf) =	vpush v20, $0xF;
	v18 =	vadd.s32 s1, v9;
	v9 =	vmovc v13;
	v13 =	vmovc v15;
	v15 =	vmov v17;
	(pc) =	sbr.rel @p0 .LBB2_19-.Ltmp9, $4  }
0x346: {  	s17 =	smov.u32 s11;
	s11 =	smov.u32 s12;
	s12 =	sshra.s32 s2, $0x2;
	v21 =	vxor.u32 $0x80000000, v19;
	vm3 =	veq.s32 v19, v7;
	vm6 =	vle.s32 v18, v8  }
0x347: {  	vm7 =	vgt.s32 v16, v6;
	v16 =	vmovc v14;
	v14 =	vmovc v11;
	v19 =	vld [tilespmem:s12+$0x1000];
	v18 =	vsel vm3, $0x1, v1;
	vm4 =	vmand vm4, vm6  }
0x348: {  	v11 =	vmov v10;
	v10 =	vmov v12;
	(xrf0) =	vadd.scan.msk.s32 $0xffff, v18;
	v17, _, _ =	vpop (xrf0);
	vm4 =	vmor vm7, vm4;
	s2 =	spop (v2sf)  }
0x349: {  	v12 =	vmovc v21;
	v20 =	vxor.u32 $0x80000000, v17;
	v18 =	vsel vm4, $0x3F800000, v5;
	s1 =	sadd.s32 s2, s1;
	vm4 =	vmmov vm5  }
0x34a: {  	_ =	sdelay $0x2  }
0x34b: {  	v21, _, _ =	vpop (xrf0);
	vm5 =	veq.s32 v19, v7  }
0x34c: {  	(xrf0) =	vmax.scan.msk.u32 $0xffff, v20;
	v7 =	vsel vm5, $0x1, v1;
	v52, _, _ =	vpop (xrf0)  }
0x34d: {  	(xrf0) =	vadd.scan.msk.s32 $0xffff, v7;
	v7 =	vxor.u32 $0x80000000, v52  }
0x34e: {  	(xrf0) =	vmax.scan.msk.u32 $0xffff, v7;
	_ =	sdelay $0x2  }
0x34f: {  	(v2sf) =	vpush v21, $0xF  }
0x350: {  	v7, _, _ =	vpop (xrf0)  }
0x351: {  	(v2sf) =	vpush v7, $0xF;
	v7, _, _ =	vpop (xrf0)  }
0x352: {  	v53, _, _ =	vpop (xrf0)  }
0x353: {  	(v2sf) =	vpush v53, $0xF;
	_ =	sdelay $0x1  }
0x354: {  	v54 =	vxor.u32 $0x80000000, v7  }
0x355: {  	vm1 =	vmmov vm1;
	vm2 =	vmmov vm2;
	vm13 =	vgt.s32 v16, v6;
	(xrf0) =	vmax.scan.msk.u32 $0xffff, v54  }
0x356: {  	s0 =	sadd.s32 $0x80000000, s1;
	vm0 =	vmmov vm0;
	vm3 =	vmmov vm3;
	vm15 =	vgt.s32 v14, v6  }
0x357: {  	s21 =	spop (v2sf);
	v9 =	vadd.s32 s0, v9;
	vm1 =	vmmov vm1;
	vm2 =	vmmov vm2  }
0x358: {  	s0 =	sadd.s32 s21, s0;
	vm0 =	vmmov vm0;
	vm3 =	vmmov vm3;
	vm6 =	vle.s32 v9, v8  }
0x359: {  	s0 =	sadd.s32 $0x80000000, s0;
	v55 =	vxor.u32 $0x80000000, v19;
	vm10 =	vmmov vm2;
	vm0 =	vmmov vm0  }
0x35a: {  	vm11 =	vmmov vm3;
	vm4 =	vmand vm4, vm6;
	v13 =	vadd.s32 s0, v13  }
0x35b: {  	vm9 =	vmmov vm5;
	vm0 =	vmmov vm0;
	vm7 =	vmmov vm11;
	s22 =	spop (v2sf);
	v57, _, _ =	vpop (xrf0)  }
0x35c: {  	vm4 =	vmor vm13, vm4;
	vm14 =	vle.s32 v13, v8;
	s0 =	sadd.s32 s22, s0;
	(v2sf) =	vpush v57, $0xF  }
0x35d: {  	vm13 =	vgt.s32 v11, v6;
	vm6 =	vmmov vm9;
	vm9 =	vmmov vm7;
	s0 =	sadd.s32 $0x80000000, s0;
	s23 =	spop (v2sf)  }
0x35e: {  	v56 =	vsel vm4, $0x3F800000, v5;
	vm1 =	vmand vm1, vm14;
	v59 =	vadd.s32 s0, v15;
	s1 =	sadd.s32 s23, s0  }
0x35f: {  	vm8 =	vmmov vm6;
	vm1 =	vmor vm15, vm1;
	vm12 =	vle.s32 v59, v8;
	s24 =	sadd.s32 $0x80000000, s1;
	s25 =	spop (v2sf)  }
0x360: {  	vm15 =	vgt.s32 v10, v6;
	v58 =	vsel vm1, $0x3F800000, v5;
	vm1 =	vmand vm10, vm12;
	s0 =	sadd.s32 s25, s24  }
0x361: {  	vm10 =	vmmov vm8;
	vm1 =	vmor vm13, vm1;
	v60 =	vadd.s32 s24, v17;
	s0 =	sadd.s32 $0x80000000, s0;
	s26 =	spop (v2sf)  }
0x362: {  	vm12 =	vgt.s32 v12, v6;
	v61 =	vsel vm1, $0x3F800000, v5;
	vm14 =	vle.s32 v60, v8;
	s1 =	sadd.s32 s26, s0  }
0x363: {  	[tilespmem:s15+$0x0] =	vst v18;
	vm1 =	vmmov vm10;
	vm0 =	vmand vm0, vm14;
	v63 =	vadd.s32 s0, v52;
	s28 =	sadd.s32 $0x80000000, s1  }
0x364: {  	[tilespmem:s13+$0x0] =	vst v56;
	vm0 =	vmor vm15, vm0;
	vm11 =	vle.s32 v63, v8;
	v7 =	vadd.s32 s28, v7  }
0x365: {  	[tilespmem:s14+$0x0] =	vst v58;
	v62 =	vsel vm0, $0x3F800000, v5;
	vm0 =	vmand vm9, vm11;
	vm13 =	vle.s32 v7, v8  }
0x366: {  	[tilespmem:s16+$0x0] =	vst v61;
	vm14 =	vgt.s32 v55, v6;
	vm0 =	vmor vm12, vm0;
	vm1 =	vmand vm1, vm13  }
0x367: {  	[tilespmem:s17+$0x0] =	vst v62;
	v6 =	vsel vm0, $0x3F800000, v5;
	vm15 =	vmor vm14, vm1  }
0x368: {  	s30 =	rddreg [dreg:$0x3];
	[tilespmem:s11+$0x0] =	vst v6;
	v6 =	vsel vm15, $0x3F800000, v5  }
0x369: {  	s2 =	simm.s32 $0x80;
	s3 =	simm.s32 $0x200;
	s0 =	simm.s32 $0x0;
	[tilespmem:s12+$0x0] =	vst v6  }
0x36a: {  	[hbm4b:s30+s2] =	stream.strided.scatter [tilespmem:s0], [sflag:$0x1], $0x1000, s3, s2, $0x38;
	[tilespmem:$0x2100] =	vst v63  }
0x36b: {  	s29 =	spop (v2sf);
	s3 =	simm.s32 $0x1  }
0x36c: {  	_ =	swait.ge [sflag:s3], $0x1000  }
0x36d: {  	s4 =	rddreg [dreg:$0x6]  }
0x36e: {  	s31 =	rddreg [dreg:$0x5];
	s4 =	sadd.s32 $0x1, s4  }
0x36f: {  	p0 =	sne.s32 s4, s31  }
.Ltmp10:
0x370: {  	_ = 	snop;
	(pc) =	sbr.rel @p0 .LBB2_2-.Ltmp10, $3  }
0x371: {  	_ =	sdelay $0x1  }
0x372: {  	[sflag:s3] =	ssyncset.done $0x0  }
0x373: {  	s1 =	simm.s32 $0x80;
	s2 =	simm.s32 $0x200;
	[sflag:s3] =	ssyncadd.s32 $0xFFFFF000  }
.LBB2_21:
0x374: {  	_ =	sfence.sel $0x180000  }
0x375: {  	[bflag:$0x0] =	sbarrier.arrive $0xFFFF  }
0x376: {  	_ =	strace $0x90000047  }
0x377: {  	s0 =	stileid.u32;
	[bflag:$0x2] =	sbarrier.arrive $0xFFFF  }
0x378: {  	p0 =	sne.s32 s0, $0x0;
	s0 =	rddreg [dreg:$0x2]  }
0x379: {  	s0 =	sadd.s32 @!p0 $0x100000, s0  }
0x37a: {  	[sflag:s0] =	ssyncadd.tile.s32 @!p0 $0x1;
	_ =	shalt  }
.Lfunc_end2:
_tile_overlayer_lowered:
.L_overlay_start_2:
0x37b: {  	(tag) =	ssettag $0x2  }
0x37c: {  	s0 =	rddreg [dreg:$0x0];
	s2 =	stileid.u32  }
0x37d: {  	s1 =	rddreg [dreg:$0x1];
	p0 =	sne.s32 s2, $0x0  }
0x37e: {  	s3 =	rddreg [dreg:$0x2];
	[bflag:$0x3] =	sbarrier.arrive $0xFFFF;
	s2 =	simm.s32 @!p0 $0x1C01  }
0x37f: {  	[timem:s3], [sflag:s2] =	dma.local @!p0 [hbm:s0], s1  }
0x380: {  	s0 =	simm.s32 @!p0 $0x1  }
0x381: {  	_ =	swait.ge @!p0 [sflag:s0], s1  }
0x382: {  	s1 =	ssub.s32 @!p0 $0x0, s1;
	[sflag:s0] =	ssyncset.done @!p0 $0x0  }
0x383: {  	[sflag:s0] =	ssyncadd.s32 @!p0 s1  }
0x384: {  	[bflag:$0x3] =	sbarrier.arrive $0xFFFF  }
0x385: {  	_ =	shalt  }

</sc_bundles>
